<compile_context>
chip_gen: v7x
topology: tpu7x:2x2x1
jax: 0.10.2.dev20260603
libtpu: 0.0.44.dev20260713+nightly
codegen_flags: <defaults>
</compile_context>

<pallas_src>
import functools
import math

import jax
import jax.numpy as jnp
from jax import lax
from jax.experimental import pallas as pl
from jax.experimental.pallas import tpu as pltpu
from jax.experimental.pallas import tpu_sc as plsc

N_CARDS = 1000
N_ARCHS = 100000
BATCH = 16384

NC = 2
NS = 16
NW = NC * NS
LANES = 16

OUT_CHUNK = 4096


def _sc_gather(idx, rm, tail, row_off, nrows_total):
  mesh = plsc.VectorSubcoreMesh(core_axis_name="c", subcore_axis_name="s")
  q, rem = divmod(nrows_total, NW)

  @functools.partial(
      pl.kernel,
      out_type=jax.ShapeDtypeStruct((nrows_total, BATCH), jnp.float32),
      mesh=mesh,
      compiler_params=pltpu.CompilerParams(needs_layout_passes=False),
      scratch_types=[
          pltpu.VMEM((99968 + 128,), jnp.float32),
          pltpu.VMEM((BATCH,), jnp.int32),
          pltpu.VMEM((OUT_CHUNK,), jnp.float32),
          pltpu.SemaphoreType.DMA,
      ],
  )
  def k(idx_hbm, rm_hbm, tail_hbm, out_hbm, row_v, idx_v, out_v, sem):
    wid = lax.axis_index("s") * NC + lax.axis_index("c")
    base = wid * q + jnp.minimum(wid, rem)
    count = q + (wid < rem).astype(jnp.int32)
    pltpu.sync_copy(idx_hbm, idx_v)

    SUBS = ((0, 25088), (25088, 25088), (50176, 25088), (75264, 24704))

    def do_row(r, _):
      c = base + r
      cs = row_off + c
      for off, ln in SUBS:
        pltpu.async_copy(rm_hbm.at[cs, pl.ds(off, ln)],
                         row_v.at[pl.ds(off, ln)], sem)
      pltpu.async_copy(tail_hbm.at[cs], row_v.at[pl.ds(99968, 128)], sem)
      for off, ln in SUBS:
        pltpu.make_async_copy(rm_hbm.at[cs, pl.ds(off, ln)],
                              row_v.at[pl.ds(off, ln)], sem).wait()
      pltpu.make_async_copy(tail_hbm.at[cs], row_v.at[pl.ds(99968, 128)],
                            sem).wait()

      def do_chunk(kk, _):
        def do_vreg(i, _):
          iv = idx_v[pl.ds(kk * OUT_CHUNK + i * LANES, LANES)]
          out_v[pl.ds(i * LANES, LANES)] = plsc.load_gather(row_v, [iv])
          return 0

        lax.fori_loop(0, OUT_CHUNK // LANES, do_vreg, 0, unroll=8)
        pltpu.sync_copy(out_v, out_hbm.at[c, pl.ds(kk * OUT_CHUNK, OUT_CHUNK)])
        return 0

      lax.fori_loop(0, BATCH // OUT_CHUNK, do_chunk, 0)
      return 0

    lax.fori_loop(0, count, do_row, 0)

  return k(idx, rm, tail)


CB = 128
BB = 2048


def _tc_mul(ranksT, pack):

  def body(rt_ref, p_ref, o_ref):
    o_ref[...] = rt_ref[...].T * p_ref[...]

  return pl.pallas_call(
      body,
      grid=(math.ceil(N_CARDS / CB), BATCH // BB),
      in_specs=[
          pl.BlockSpec((CB, BB), lambda i, j: (i, j)),
          pl.BlockSpec((BB, CB), lambda i, j: (j, i)),
      ],
      out_specs=pl.BlockSpec((BB, CB), lambda i, j: (j, i)),
      out_shape=jax.ShapeDtypeStruct((BATCH, N_CARDS), jnp.float32),
  )(ranksT, pack)


def kernel(x, ranking_matrix):
  idx = x[:, 0].astype(jnp.int32)
  pack = x[:, 1 + N_CARDS:]
  tail = jnp.pad(ranking_matrix[:, N_ARCHS - 32:], ((0, 0), (0, 96)))
  ranksT = _sc_gather(idx, ranking_matrix, tail, 0, N_CARDS)
  return _tc_mul(ranksT, pack)

# --- scband reference (transcript-rebuilt; emitter-appended) ---
"""Pipeline reference for scband-ranking-net-27187142983998 (READ-ONLY COPY).

The authoritative reference and input builder live on the scoring server;
editing this copy changes nothing except your own understanding.
"""

import jax, jax.numpy as jnp
import numpy as np

N_CARDS = 1000
N_ARCHS = 100000
BATCH = 16384

def setup_inputs(seed: int = 0) -> dict:
    key = jax.random.key(seed)
    k_x, k_w = jax.random.split(key)
    # x: [B, 1 + 2*n_cards]; column 0 holds the archetype index (stored as float),
    # columns [1+n_cards:] hold the 'pack' vector. Per input_specs, fill=randint.
    x = jax.random.randint(k_x, (BATCH, 1 + 2 * N_CARDS), 0, N_ARCHS).astype(jnp.float32)
    # Learned parameter: ranking_matrix ~ U[0,1), shape [n_cards, n_archs]
    ranking_matrix = jax.random.uniform(k_w, (N_CARDS, N_ARCHS), dtype=jnp.float32)
    return {"x": x, "ranking_matrix": ranking_matrix}

def reference(x, ranking_matrix):
    # Faithful translation of RankingNet.forward
    arch_idx = x[:, 0].astype(jnp.int32)          # [B]
    pack = x[:, 1 + N_CARDS:]                      # [B, n_cards]
    # ranking_matrix[:, arch_idx] -> [n_cards, B]; transpose -> [B, n_cards]
    ranks = jnp.take(ranking_matrix, arch_idx, axis=1).T
    return ranks * pack

if __name__ == "__main__":
    import jax
    _d = setup_inputs()
    print(jax.jit(kernel)(*tuple(_d.values())))

</pallas_src>

<mosaic_0001>
#map = affine_map<(d0, d1) -> (0)>
#map1 = affine_map<(d0, d1) -> (0, 0)>
module attributes {stable_mosaic.version = 14 : i64} {
  func.func @k(%arg0: i32, %arg1: i32, %arg2: memref<16384xi32, #tpu.memory_space<hbm>>, %arg3: memref<1000x100000xf32, #tpu.memory_space<hbm>>, %arg4: memref<1000x128xf32, #tpu.memory_space<hbm>>, %arg5: memref<1000x16384xf32, #tpu.memory_space<hbm>>, %arg6: memref<100096xf32, #tpu.memory_space<vmem>>, %arg7: memref<16384xi32, #tpu.memory_space<vmem>>, %arg8: memref<4096xf32, #tpu.memory_space<vmem>>, %arg9: memref<!tpu.dma_semaphore, #tpu.memory_space<semaphore_mem>>) attributes {dimension_semantics = [#tpu.dimension_semantics<core_parallel>, #tpu.dimension_semantics<subcore_parallel>], iteration_bounds = array<i64: 2, 16>, scalar_prefetch = 0 : i64, scratch_operands = 4 : i64, tpu.core_type = #tpu.core_type<sc_vector_subcore>, window_params = [{transform_indices = #map}, {transform_indices = #map1}, {transform_indices = #map1}, {transform_indices = #map1}]} {
    %mul3A = arith.constant 2 : i32
    %mul3A_0 = arith.muli %arg1, %mul3A : i32
    %add3A = arith.addi %mul3A_0, %arg0 : i32
    %mul3A_1 = arith.constant 31 : i32
    %mul3A_2 = arith.muli %add3A, %mul3A_1 : i32
    %min3A = arith.constant 8 : i32
    %min3A_3 = arith.minsi %add3A, %min3A : i32
    %add3A_4 = arith.addi %mul3A_2, %min3A_3 : i32
    %lt3A = arith.constant 8 : i32
    %lt3A_5 = arith.cmpi slt, %add3A, %lt3A : i32
    %convert_element_type3A = arith.extui %lt3A_5 : i1 to i32
    %add3A_6 = arith.constant 31 : i32
    %add3A_7 = arith.addi %add3A_6, %convert_element_type3A : i32
    "tpu.region"() ({
      %run_scoped3A = tpu.sem_alloc : memref<!tpu.dma_semaphore, #tpu.memory_space<semaphore_mem>>
      tpu.enqueue_dma source(%arg2 : memref<16384xi32, #tpu.memory_space<hbm>>) target(%arg7 : memref<16384xi32, #tpu.memory_space<vmem>>) target_semaphore(%run_scoped3A : memref<!tpu.dma_semaphore, #tpu.memory_space<semaphore_mem>>)
      tpu.wait_dma2 semaphore(%run_scoped3A : memref<!tpu.dma_semaphore, #tpu.memory_space<semaphore_mem>>) src(%arg2 : memref<16384xi32, #tpu.memory_space<hbm>>) dst(%arg7 : memref<16384xi32, #tpu.memory_space<vmem>>)
      tpu.yield
    }) : () -> ()
    %while3A = arith.constant 0 : i32
    %while3A_8 = arith.constant 0 : i32
    %while3A_9 = arith.subi %add3A_7, %while3A : i32
    %while3A_10 = arith.addi %while3A, %while3A_9 : i32
    %while3A_11 = arith.constant 1 : i32
    %while3A_12 = arith.divsi %while3A_9, %while3A_11 : i32
    %while3A_13 = arith.muli %while3A_12, %while3A_11 : i32
    %while3A_14 = arith.addi %while3A, %while3A_13 : i32
    %while3A_15 = arith.constant 1 : i32
    %while3A_16 = scf.for %while3A_19 = %while3A to %while3A_14 step %while3A_15 iter_args(%while3A_20 = %while3A_8) -> (i32)  : i32 {
      %add3A_21 = arith.addi %add3A_4, %while3A_19 : i32
      %add3A_22 = arith.constant 0 : i32
      %add3A_23 = arith.addi %add3A_22, %add3A_21 : i32
      %dma_start3A = arith.constant 0 : i32
      %dma_start3A_24 = tpu.memref_slice %arg6[%dma_start3A] : memref<100096xf32, #tpu.memory_space<vmem>> -> memref<25088xf32, #tpu.memory_space<vmem>>
      %dma_start3A_25 = arith.constant 0 : i32
      %dma_start3A_26 = tpu.memref_slice %arg3[%add3A_23, %dma_start3A_25] : memref<1000x100000xf32, #tpu.memory_space<hbm>> -> memref<1x25088xf32, #tpu.memory_space<hbm>>
      %dma_start3A_27 = tpu.memref_squeeze %dma_start3A_26 : memref<1x25088xf32, #tpu.memory_space<hbm>> -> memref<25088xf32, #tpu.memory_space<hbm>>
      %dma_start3A_28 = arith.constant 0 : i32
      %dma_start3A_29 = tpu.memref_slice %arg6[%dma_start3A_28] : memref<100096xf32, #tpu.memory_space<vmem>> -> memref<25088xf32, #tpu.memory_space<vmem>>
      %dma_start3A_30 = arith.constant 0 : i32
      %dma_start3A_31 = tpu.memref_slice %arg3[%add3A_23, %dma_start3A_30] : memref<1000x100000xf32, #tpu.memory_space<hbm>> -> memref<1x25088xf32, #tpu.memory_space<hbm>>
      %dma_start3A_32 = tpu.memref_squeeze %dma_start3A_31 : memref<1x25088xf32, #tpu.memory_space<hbm>> -> memref<25088xf32, #tpu.memory_space<hbm>>
      tpu.enqueue_dma source(%dma_start3A_32 : memref<25088xf32, #tpu.memory_space<hbm>>) target(%dma_start3A_29 : memref<25088xf32, #tpu.memory_space<vmem>>) target_semaphore(%arg9 : memref<!tpu.dma_semaphore, #tpu.memory_space<semaphore_mem>>)
      %dma_start3A_33 = arith.constant 25088 : i32
      %dma_start3A_34 = tpu.memref_slice %arg6[%dma_start3A_33] : memref<100096xf32, #tpu.memory_space<vmem>> -> memref<25088xf32, #tpu.memory_space<vmem>>
      %dma_start3A_35 = arith.constant 25088 : i32
      %dma_start3A_36 = tpu.memref_slice %arg3[%add3A_23, %dma_start3A_35] : memref<1000x100000xf32, #tpu.memory_space<hbm>> -> memref<1x25088xf32, #tpu.memory_space<hbm>>
      %dma_start3A_37 = tpu.memref_squeeze %dma_start3A_36 : memref<1x25088xf32, #tpu.memory_space<hbm>> -> memref<25088xf32, #tpu.memory_space<hbm>>
      %dma_start3A_38 = arith.constant 25088 : i32
      %dma_start3A_39 = tpu.memref_slice %arg6[%dma_start3A_38] : memref<100096xf32, #tpu.memory_space<vmem>> -> memref<25088xf32, #tpu.memory_space<vmem>>
      %dma_start3A_40 = arith.constant 25088 : i32
      %dma_start3A_41 = tpu.memref_slice %arg3[%add3A_23, %dma_start3A_40] : memref<1000x100000xf32, #tpu.memory_space<hbm>> -> memref<1x25088xf32, #tpu.memory_space<hbm>>
      %dma_start3A_42 = tpu.memref_squeeze %dma_start3A_41 : memref<1x25088xf32, #tpu.memory_space<hbm>> -> memref<25088xf32, #tpu.memory_space<hbm>>
      tpu.enqueue_dma source(%dma_start3A_42 : memref<25088xf32, #tpu.memory_space<hbm>>) target(%dma_start3A_39 : memref<25088xf32, #tpu.memory_space<vmem>>) target_semaphore(%arg9 : memref<!tpu.dma_semaphore, #tpu.memory_space<semaphore_mem>>)
      %dma_start3A_43 = arith.constant 50176 : i32
      %dma_start3A_44 = tpu.memref_slice %arg6[%dma_start3A_43] : memref<100096xf32, #tpu.memory_space<vmem>> -> memref<25088xf32, #tpu.memory_space<vmem>>
      %dma_start3A_45 = arith.constant 50176 : i32
      %dma_start3A_46 = tpu.memref_slice %arg3[%add3A_23, %dma_start3A_45] : memref<1000x100000xf32, #tpu.memory_space<hbm>> -> memref<1x25088xf32, #tpu.memory_space<hbm>>
      %dma_start3A_47 = tpu.memref_squeeze %dma_start3A_46 : memref<1x25088xf32, #tpu.memory_space<hbm>> -> memref<25088xf32, #tpu.memory_space<hbm>>
      %dma_start3A_48 = arith.constant 50176 : i32
      %dma_start3A_49 = tpu.memref_slice %arg6[%dma_start3A_48] : memref<100096xf32, #tpu.memory_space<vmem>> -> memref<25088xf32, #tpu.memory_space<vmem>>
      %dma_start3A_50 = arith.constant 50176 : i32
      %dma_start3A_51 = tpu.memref_slice %arg3[%add3A_23, %dma_start3A_50] : memref<1000x100000xf32, #tpu.memory_space<hbm>> -> memref<1x25088xf32, #tpu.memory_space<hbm>>
      %dma_start3A_52 = tpu.memref_squeeze %dma_start3A_51 : memref<1x25088xf32, #tpu.memory_space<hbm>> -> memref<25088xf32, #tpu.memory_space<hbm>>
      tpu.enqueue_dma source(%dma_start3A_52 : memref<25088xf32, #tpu.memory_space<hbm>>) target(%dma_start3A_49 : memref<25088xf32, #tpu.memory_space<vmem>>) target_semaphore(%arg9 : memref<!tpu.dma_semaphore, #tpu.memory_space<semaphore_mem>>)
      %dma_start3A_53 = arith.constant 75264 : i32
      %dma_start3A_54 = tpu.memref_slice %arg6[%dma_start3A_53] : memref<100096xf32, #tpu.memory_space<vmem>> -> memref<24704xf32, #tpu.memory_space<vmem>>
      %dma_start3A_55 = arith.constant 75264 : i32
      %dma_start3A_56 = tpu.memref_slice %arg3[%add3A_23, %dma_start3A_55] : memref<1000x100000xf32, #tpu.memory_space<hbm>> -> memref<1x24704xf32, #tpu.memory_space<hbm>>
      %dma_start3A_57 = tpu.memref_squeeze %dma_start3A_56 : memref<1x24704xf32, #tpu.memory_space<hbm>> -> memref<24704xf32, #tpu.memory_space<hbm>>
      %dma_start3A_58 = arith.constant 75264 : i32
      %dma_start3A_59 = tpu.memref_slice %arg6[%dma_start3A_58] : memref<100096xf32, #tpu.memory_space<vmem>> -> memref<24704xf32, #tpu.memory_space<vmem>>
      %dma_start3A_60 = arith.constant 75264 : i32
      %dma_start3A_61 = tpu.memref_slice %arg3[%add3A_23, %dma_start3A_60] : memref<1000x100000xf32, #tpu.memory_space<hbm>> -> memref<1x24704xf32, #tpu.memory_space<hbm>>
      %dma_start3A_62 = tpu.memref_squeeze %dma_start3A_61 : memref<1x24704xf32, #tpu.memory_space<hbm>> -> memref<24704xf32, #tpu.memory_space<hbm>>
      tpu.enqueue_dma source(%dma_start3A_62 : memref<24704xf32, #tpu.memory_space<hbm>>) target(%dma_start3A_59 : memref<24704xf32, #tpu.memory_space<vmem>>) target_semaphore(%arg9 : memref<!tpu.dma_semaphore, #tpu.memory_space<semaphore_mem>>)
      %dma_start3A_63 = arith.constant 99968 : i32
      %dma_start3A_64 = tpu.memref_slice %arg6[%dma_start3A_63] : memref<100096xf32, #tpu.memory_space<vmem>> -> memref<128xf32, #tpu.memory_space<vmem>>
      %dma_start3A_65 = arith.constant 0 : i32
      %dma_start3A_66 = tpu.memref_slice %arg4[%add3A_23, %dma_start3A_65] : memref<1000x128xf32, #tpu.memory_space<hbm>> -> memref<1x128xf32, #tpu.memory_space<hbm>>
      %dma_start3A_67 = tpu.memref_squeeze %dma_start3A_66 : memref<1x128xf32, #tpu.memory_space<hbm>> -> memref<128xf32, #tpu.memory_space<hbm>>
      %dma_start3A_68 = arith.constant 99968 : i32
      %dma_start3A_69 = tpu.memref_slice %arg6[%dma_start3A_68] : memref<100096xf32, #tpu.memory_space<vmem>> -> memref<128xf32, #tpu.memory_space<vmem>>
      %dma_start3A_70 = arith.constant 0 : i32
      %dma_start3A_71 = tpu.memref_slice %arg4[%add3A_23, %dma_start3A_70] : memref<1000x128xf32, #tpu.memory_space<hbm>> -> memref<1x128xf32, #tpu.memory_space<hbm>>
      %dma_start3A_72 = tpu.memref_squeeze %dma_start3A_71 : memref<1x128xf32, #tpu.memory_space<hbm>> -> memref<128xf32, #tpu.memory_space<hbm>>
      tpu.enqueue_dma source(%dma_start3A_72 : memref<128xf32, #tpu.memory_space<hbm>>) target(%dma_start3A_69 : memref<128xf32, #tpu.memory_space<vmem>>) target_semaphore(%arg9 : memref<!tpu.dma_semaphore, #tpu.memory_space<semaphore_mem>>)
      %dma_wait3A = arith.constant 0 : i32
      %dma_wait3A_73 = tpu.memref_slice %arg6[%dma_wait3A] : memref<100096xf32, #tpu.memory_space<vmem>> -> memref<25088xf32, #tpu.memory_space<vmem>>
      %dma_wait3A_74 = arith.constant 0 : i32
      %dma_wait3A_75 = tpu.memref_slice %arg3[%add3A_23, %dma_wait3A_74] : memref<1000x100000xf32, #tpu.memory_space<hbm>> -> memref<1x25088xf32, #tpu.memory_space<hbm>>
      %dma_wait3A_76 = tpu.memref_squeeze %dma_wait3A_75 : memref<1x25088xf32, #tpu.memory_space<hbm>> -> memref<25088xf32, #tpu.memory_space<hbm>>
      %dma_wait3A_77 = arith.constant 0 : i32
      %dma_wait3A_78 = tpu.memref_slice %arg6[%dma_wait3A_77] : memref<100096xf32, #tpu.memory_space<vmem>> -> memref<25088xf32, #tpu.memory_space<vmem>>
      %dma_wait3A_79 = arith.constant 0 : i32
      %dma_wait3A_80 = tpu.memref_slice %arg3[%add3A_23, %dma_wait3A_79] : memref<1000x100000xf32, #tpu.memory_space<hbm>> -> memref<1x25088xf32, #tpu.memory_space<hbm>>
      %dma_wait3A_81 = tpu.memref_squeeze %dma_wait3A_80 : memref<1x25088xf32, #tpu.memory_space<hbm>> -> memref<25088xf32, #tpu.memory_space<hbm>>
      tpu.wait_dma2 semaphore(%arg9 : memref<!tpu.dma_semaphore, #tpu.memory_space<semaphore_mem>>) src(%dma_wait3A_81 : memref<25088xf32, #tpu.memory_space<hbm>>) dst(%dma_wait3A_78 : memref<25088xf32, #tpu.memory_space<vmem>>)
      %dma_wait3A_82 = arith.constant 25088 : i32
      %dma_wait3A_83 = tpu.memref_slice %arg6[%dma_wait3A_82] : memref<100096xf32, #tpu.memory_space<vmem>> -> memref<25088xf32, #tpu.memory_space<vmem>>
      %dma_wait3A_84 = arith.constant 25088 : i32
      %dma_wait3A_85 = tpu.memref_slice %arg3[%add3A_23, %dma_wait3A_84] : memref<1000x100000xf32, #tpu.memory_space<hbm>> -> memref<1x25088xf32, #tpu.memory_space<hbm>>
      %dma_wait3A_86 = tpu.memref_squeeze %dma_wait3A_85 : memref<1x25088xf32, #tpu.memory_space<hbm>> -> memref<25088xf32, #tpu.memory_space<hbm>>
      %dma_wait3A_87 = arith.constant 25088 : i32
      %dma_wait3A_88 = tpu.memref_slice %arg6[%dma_wait3A_87] : memref<100096xf32, #tpu.memory_space<vmem>> -> memref<25088xf32, #tpu.memory_space<vmem>>
      %dma_wait3A_89 = arith.constant 25088 : i32
      %dma_wait3A_90 = tpu.memref_slice %arg3[%add3A_23, %dma_wait3A_89] : memref<1000x100000xf32, #tpu.memory_space<hbm>> -> memref<1x25088xf32, #tpu.memory_space<hbm>>
      %dma_wait3A_91 = tpu.memref_squeeze %dma_wait3A_90 : memref<1x25088xf32, #tpu.memory_space<hbm>> -> memref<25088xf32, #tpu.memory_space<hbm>>
      tpu.wait_dma2 semaphore(%arg9 : memref<!tpu.dma_semaphore, #tpu.memory_space<semaphore_mem>>) src(%dma_wait3A_91 : memref<25088xf32, #tpu.memory_space<hbm>>) dst(%dma_wait3A_88 : memref<25088xf32, #tpu.memory_space<vmem>>)
      %dma_wait3A_92 = arith.constant 50176 : i32
      %dma_wait3A_93 = tpu.memref_slice %arg6[%dma_wait3A_92] : memref<100096xf32, #tpu.memory_space<vmem>> -> memref<25088xf32, #tpu.memory_space<vmem>>
      %dma_wait3A_94 = arith.constant 50176 : i32
      %dma_wait3A_95 = tpu.memref_slice %arg3[%add3A_23, %dma_wait3A_94] : memref<1000x100000xf32, #tpu.memory_space<hbm>> -> memref<1x25088xf32, #tpu.memory_space<hbm>>
      %dma_wait3A_96 = tpu.memref_squeeze %dma_wait3A_95 : memref<1x25088xf32, #tpu.memory_space<hbm>> -> memref<25088xf32, #tpu.memory_space<hbm>>
      %dma_wait3A_97 = arith.constant 50176 : i32
      %dma_wait3A_98 = tpu.memref_slice %arg6[%dma_wait3A_97] : memref<100096xf32, #tpu.memory_space<vmem>> -> memref<25088xf32, #tpu.memory_space<vmem>>
      %dma_wait3A_99 = arith.constant 50176 : i32
      %dma_wait3A_100 = tpu.memref_slice %arg3[%add3A_23, %dma_wait3A_99] : memref<1000x100000xf32, #tpu.memory_space<hbm>> -> memref<1x25088xf32, #tpu.memory_space<hbm>>
      %dma_wait3A_101 = tpu.memref_squeeze %dma_wait3A_100 : memref<1x25088xf32, #tpu.memory_space<hbm>> -> memref<25088xf32, #tpu.memory_space<hbm>>
      tpu.wait_dma2 semaphore(%arg9 : memref<!tpu.dma_semaphore, #tpu.memory_space<semaphore_mem>>) src(%dma_wait3A_101 : memref<25088xf32, #tpu.memory_space<hbm>>) dst(%dma_wait3A_98 : memref<25088xf32, #tpu.memory_space<vmem>>)
      %dma_wait3A_102 = arith.constant 75264 : i32
      %dma_wait3A_103 = tpu.memref_slice %arg6[%dma_wait3A_102] : memref<100096xf32, #tpu.memory_space<vmem>> -> memref<24704xf32, #tpu.memory_space<vmem>>
      %dma_wait3A_104 = arith.constant 75264 : i32
      %dma_wait3A_105 = tpu.memref_slice %arg3[%add3A_23, %dma_wait3A_104] : memref<1000x100000xf32, #tpu.memory_space<hbm>> -> memref<1x24704xf32, #tpu.memory_space<hbm>>
      %dma_wait3A_106 = tpu.memref_squeeze %dma_wait3A_105 : memref<1x24704xf32, #tpu.memory_space<hbm>> -> memref<24704xf32, #tpu.memory_space<hbm>>
      %dma_wait3A_107 = arith.constant 75264 : i32
      %dma_wait3A_108 = tpu.memref_slice %arg6[%dma_wait3A_107] : memref<100096xf32, #tpu.memory_space<vmem>> -> memref<24704xf32, #tpu.memory_space<vmem>>
      %dma_wait3A_109 = arith.constant 75264 : i32
      %dma_wait3A_110 = tpu.memref_slice %arg3[%add3A_23, %dma_wait3A_109] : memref<1000x100000xf32, #tpu.memory_space<hbm>> -> memref<1x24704xf32, #tpu.memory_space<hbm>>
      %dma_wait3A_111 = tpu.memref_squeeze %dma_wait3A_110 : memref<1x24704xf32, #tpu.memory_space<hbm>> -> memref<24704xf32, #tpu.memory_space<hbm>>
      tpu.wait_dma2 semaphore(%arg9 : memref<!tpu.dma_semaphore, #tpu.memory_space<semaphore_mem>>) src(%dma_wait3A_111 : memref<24704xf32, #tpu.memory_space<hbm>>) dst(%dma_wait3A_108 : memref<24704xf32, #tpu.memory_space<vmem>>)
      %dma_wait3A_112 = arith.constant 99968 : i32
      %dma_wait3A_113 = tpu.memref_slice %arg6[%dma_wait3A_112] : memref<100096xf32, #tpu.memory_space<vmem>> -> memref<128xf32, #tpu.memory_space<vmem>>
      %dma_wait3A_114 = arith.constant 0 : i32
      %dma_wait3A_115 = tpu.memref_slice %arg4[%add3A_23, %dma_wait3A_114] : memref<1000x128xf32, #tpu.memory_space<hbm>> -> memref<1x128xf32, #tpu.memory_space<hbm>>
      %dma_wait3A_116 = tpu.memref_squeeze %dma_wait3A_115 : memref<1x128xf32, #tpu.memory_space<hbm>> -> memref<128xf32, #tpu.memory_space<hbm>>
      %dma_wait3A_117 = arith.constant 99968 : i32
      %dma_wait3A_118 = tpu.memref_slice %arg6[%dma_wait3A_117] : memref<100096xf32, #tpu.memory_space<vmem>> -> memref<128xf32, #tpu.memory_space<vmem>>
      %dma_wait3A_119 = arith.constant 0 : i32
      %dma_wait3A_120 = tpu.memref_slice %arg4[%add3A_23, %dma_wait3A_119] : memref<1000x128xf32, #tpu.memory_space<hbm>> -> memref<1x128xf32, #tpu.memory_space<hbm>>
      %dma_wait3A_121 = tpu.memref_squeeze %dma_wait3A_120 : memref<1x128xf32, #tpu.memory_space<hbm>> -> memref<128xf32, #tpu.memory_space<hbm>>
      tpu.wait_dma2 semaphore(%arg9 : memref<!tpu.dma_semaphore, #tpu.memory_space<semaphore_mem>>) src(%dma_wait3A_121 : memref<128xf32, #tpu.memory_space<hbm>>) dst(%dma_wait3A_118 : memref<128xf32, #tpu.memory_space<vmem>>)
      %scan3A = arith.constant 0 : i32
      %scan3A_122 = arith.constant 0 : i32
      %scan3A_123 = arith.constant 4 : i32
      %scan3A_124 = arith.addi %scan3A_122, %scan3A_123 : i32
      %scan3A_125 = arith.constant 1 : i32
      %scan3A_126 = scf.for %scan3A_129 = %scan3A_122 to %scan3A_124 step %scan3A_125 iter_args(%scan3A_130 = %scan3A) -> (i32)  : i32 {
        %scan3A_131 = arith.constant 0 : i32
        %scan3A_132 = arith.constant 0 : i32
        %scan3A_133 = arith.constant 256 : i32
        %scan3A_134 = arith.addi %scan3A_132, %scan3A_133 : i32
        %scan3A_135 = arith.constant 8 : i32
        %scan3A_136 = scf.for %scan3A_141 = %scan3A_132 to %scan3A_134 step %scan3A_135 iter_args(%scan3A_142 = %scan3A_131) -> (i32)  : i32 {
          %mul3A_143 = arith.constant 4096 : i32
          %mul3A_144 = arith.muli %scan3A_129, %mul3A_143 : i32
          %mul3A_145 = arith.constant 16 : i32
          %mul3A_146 = arith.muli %scan3A_141, %mul3A_145 : i32
          %add3A_147 = arith.addi %mul3A_144, %mul3A_146 : i32
          %get3A = arith.index_cast %add3A_147 : i32 to index
          %get3A_148 = tpu.vector_load %arg7[%get3A] {strides = array<i32>} : memref<16384xi32, #tpu.memory_space<vmem>>, vector<16xi32>,
          %gather3A = tpu.vector_load_idx %arg6[%get3A_148] : memref<100096xf32, #tpu.memory_space<vmem>>[vector<16xi32>], vector<16xf32>,
          %mul3A_149 = arith.constant 16 : i32
          %mul3A_150 = arith.muli %scan3A_141, %mul3A_149 : i32
          %swap3A = arith.index_cast %mul3A_150 : i32 to index
          %swap3A_151 = tpu.vector_load %arg8[%swap3A] {strides = array<i32>} : memref<4096xf32, #tpu.memory_space<vmem>>, vector<16xf32>,
          tpu.vector_store %arg8[%swap3A], %gather3A {strides = array<i32>} : memref<4096xf32, #tpu.memory_space<vmem>>, vector<16xf32>,
          %scan3A_152 = arith.constant 0 : i32
          %scan3A_153 = arith.constant 1 : i32
          %scan3A_154 = arith.addi %scan3A_141, %scan3A_153 : i32
          %mul3A_155 = arith.constant 4096 : i32
          %mul3A_156 = arith.muli %scan3A_129, %mul3A_155 : i32
          %mul3A_157 = arith.constant 16 : i32
          %mul3A_158 = arith.muli %scan3A_154, %mul3A_157 : i32
          %add3A_159 = arith.addi %mul3A_156, %mul3A_158 : i32
          %get3A_160 = arith.index_cast %add3A_159 : i32 to index
          %get3A_161 = tpu.vector_load %arg7[%get3A_160] {strides = array<i32>} : memref<16384xi32, #tpu.memory_space<vmem>>, vector<16xi32>,
          %gather3A_162 = tpu.vector_load_idx %arg6[%get3A_161] : memref<100096xf32, #tpu.memory_space<vmem>>[vector<16xi32>], vector<16xf32>,
          %mul3A_163 = arith.constant 16 : i32
          %mul3A_164 = arith.muli %scan3A_154, %mul3A_163 : i32
          %swap3A_165 = arith.index_cast %mul3A_164 : i32 to index
          %swap3A_166 = tpu.vector_load %arg8[%swap3A_165] {strides = array<i32>} : memref<4096xf32, #tpu.memory_space<vmem>>, vector<16xf32>,
          tpu.vector_store %arg8[%swap3A_165], %gather3A_162 {strides = array<i32>} : memref<4096xf32, #tpu.memory_space<vmem>>, vector<16xf32>,
          %scan3A_167 = arith.constant 0 : i32
          %scan3A_168 = arith.constant 2 : i32
          %scan3A_169 = arith.addi %scan3A_141, %scan3A_168 : i32
          %mul3A_170 = arith.constant 4096 : i32
          %mul3A_171 = arith.muli %scan3A_129, %mul3A_170 : i32
          %mul3A_172 = arith.constant 16 : i32
          %mul3A_173 = arith.muli %scan3A_169, %mul3A_172 : i32
          %add3A_174 = arith.addi %mul3A_171, %mul3A_173 : i32
          %get3A_175 = arith.index_cast %add3A_174 : i32 to index
          %get3A_176 = tpu.vector_load %arg7[%get3A_175] {strides = array<i32>} : memref<16384xi32, #tpu.memory_space<vmem>>, vector<16xi32>,
          %gather3A_177 = tpu.vector_load_idx %arg6[%get3A_176] : memref<100096xf32, #tpu.memory_space<vmem>>[vector<16xi32>], vector<16xf32>,
          %mul3A_178 = arith.constant 16 : i32
          %mul3A_179 = arith.muli %scan3A_169, %mul3A_178 : i32
          %swap3A_180 = arith.index_cast %mul3A_179 : i32 to index
          %swap3A_181 = tpu.vector_load %arg8[%swap3A_180] {strides = array<i32>} : memref<4096xf32, #tpu.memory_space<vmem>>, vector<16xf32>,
          tpu.vector_store %arg8[%swap3A_180], %gather3A_177 {strides = array<i32>} : memref<4096xf32, #tpu.memory_space<vmem>>, vector<16xf32>,
          %scan3A_182 = arith.constant 0 : i32
          %scan3A_183 = arith.constant 3 : i32
          %scan3A_184 = arith.addi %scan3A_141, %scan3A_183 : i32
          %mul3A_185 = arith.constant 4096 : i32
          %mul3A_186 = arith.muli %scan3A_129, %mul3A_185 : i32
          %mul3A_187 = arith.constant 16 : i32
          %mul3A_188 = arith.muli %scan3A_184, %mul3A_187 : i32
          %add3A_189 = arith.addi %mul3A_186, %mul3A_188 : i32
          %get3A_190 = arith.index_cast %add3A_189 : i32 to index
          %get3A_191 = tpu.vector_load %arg7[%get3A_190] {strides = array<i32>} : memref<16384xi32, #tpu.memory_space<vmem>>, vector<16xi32>,
          %gather3A_192 = tpu.vector_load_idx %arg6[%get3A_191] : memref<100096xf32, #tpu.memory_space<vmem>>[vector<16xi32>], vector<16xf32>,
          %mul3A_193 = arith.constant 16 : i32
          %mul3A_194 = arith.muli %scan3A_184, %mul3A_193 : i32
          %swap3A_195 = arith.index_cast %mul3A_194 : i32 to index
          %swap3A_196 = tpu.vector_load %arg8[%swap3A_195] {strides = array<i32>} : memref<4096xf32, #tpu.memory_space<vmem>>, vector<16xf32>,
          tpu.vector_store %arg8[%swap3A_195], %gather3A_192 {strides = array<i32>} : memref<4096xf32, #tpu.memory_space<vmem>>, vector<16xf32>,
          %scan3A_197 = arith.constant 0 : i32
          %scan3A_198 = arith.constant 4 : i32
          %scan3A_199 = arith.addi %scan3A_141, %scan3A_198 : i32
          %mul3A_200 = arith.constant 4096 : i32
          %mul3A_201 = arith.muli %scan3A_129, %mul3A_200 : i32
          %mul3A_202 = arith.constant 16 : i32
          %mul3A_203 = arith.muli %scan3A_199, %mul3A_202 : i32
          %add3A_204 = arith.addi %mul3A_201, %mul3A_203 : i32
          %get3A_205 = arith.index_cast %add3A_204 : i32 to index
          %get3A_206 = tpu.vector_load %arg7[%get3A_205] {strides = array<i32>} : memref<16384xi32, #tpu.memory_space<vmem>>, vector<16xi32>,
          %gather3A_207 = tpu.vector_load_idx %arg6[%get3A_206] : memref<100096xf32, #tpu.memory_space<vmem>>[vector<16xi32>], vector<16xf32>,
          %mul3A_208 = arith.constant 16 : i32
          %mul3A_209 = arith.muli %scan3A_199, %mul3A_208 : i32
          %swap3A_210 = arith.index_cast %mul3A_209 : i32 to index
          %swap3A_211 = tpu.vector_load %arg8[%swap3A_210] {strides = array<i32>} : memref<4096xf32, #tpu.memory_space<vmem>>, vector<16xf32>,
          tpu.vector_store %arg8[%swap3A_210], %gather3A_207 {strides = array<i32>} : memref<4096xf32, #tpu.memory_space<vmem>>, vector<16xf32>,
          %scan3A_212 = arith.constant 0 : i32
          %scan3A_213 = arith.constant 5 : i32
          %scan3A_214 = arith.addi %scan3A_141, %scan3A_213 : i32
          %mul3A_215 = arith.constant 4096 : i32
          %mul3A_216 = arith.muli %scan3A_129, %mul3A_215 : i32
          %mul3A_217 = arith.constant 16 : i32
          %mul3A_218 = arith.muli %scan3A_214, %mul3A_217 : i32
          %add3A_219 = arith.addi %mul3A_216, %mul3A_218 : i32
          %get3A_220 = arith.index_cast %add3A_219 : i32 to index
          %get3A_221 = tpu.vector_load %arg7[%get3A_220] {strides = array<i32>} : memref<16384xi32, #tpu.memory_space<vmem>>, vector<16xi32>,
          %gather3A_222 = tpu.vector_load_idx %arg6[%get3A_221] : memref<100096xf32, #tpu.memory_space<vmem>>[vector<16xi32>], vector<16xf32>,
          %mul3A_223 = arith.constant 16 : i32
          %mul3A_224 = arith.muli %scan3A_214, %mul3A_223 : i32
          %swap3A_225 = arith.index_cast %mul3A_224 : i32 to index
          %swap3A_226 = tpu.vector_load %arg8[%swap3A_225] {strides = array<i32>} : memref<4096xf32, #tpu.memory_space<vmem>>, vector<16xf32>,
          tpu.vector_store %arg8[%swap3A_225], %gather3A_222 {strides = array<i32>} : memref<4096xf32, #tpu.memory_space<vmem>>, vector<16xf32>,
          %scan3A_227 = arith.constant 0 : i32
          %scan3A_228 = arith.constant 6 : i32
          %scan3A_229 = arith.addi %scan3A_141, %scan3A_228 : i32
          %mul3A_230 = arith.constant 4096 : i32
          %mul3A_231 = arith.muli %scan3A_129, %mul3A_230 : i32
          %mul3A_232 = arith.constant 16 : i32
          %mul3A_233 = arith.muli %scan3A_229, %mul3A_232 : i32
          %add3A_234 = arith.addi %mul3A_231, %mul3A_233 : i32
          %get3A_235 = arith.index_cast %add3A_234 : i32 to index
          %get3A_236 = tpu.vector_load %arg7[%get3A_235] {strides = array<i32>} : memref<16384xi32, #tpu.memory_space<vmem>>, vector<16xi32>,
          %gather3A_237 = tpu.vector_load_idx %arg6[%get3A_236] : memref<100096xf32, #tpu.memory_space<vmem>>[vector<16xi32>], vector<16xf32>,
          %mul3A_238 = arith.constant 16 : i32
          %mul3A_239 = arith.muli %scan3A_229, %mul3A_238 : i32
          %swap3A_240 = arith.index_cast %mul3A_239 : i32 to index
          %swap3A_241 = tpu.vector_load %arg8[%swap3A_240] {strides = array<i32>} : memref<4096xf32, #tpu.memory_space<vmem>>, vector<16xf32>,
          tpu.vector_store %arg8[%swap3A_240], %gather3A_237 {strides = array<i32>} : memref<4096xf32, #tpu.memory_space<vmem>>, vector<16xf32>,
          %scan3A_242 = arith.constant 0 : i32
          %scan3A_243 = arith.constant 7 : i32
          %scan3A_244 = arith.addi %scan3A_141, %scan3A_243 : i32
          %mul3A_245 = arith.constant 4096 : i32
          %mul3A_246 = arith.muli %scan3A_129, %mul3A_245 : i32
          %mul3A_247 = arith.constant 16 : i32
          %mul3A_248 = arith.muli %scan3A_244, %mul3A_247 : i32
          %add3A_249 = arith.addi %mul3A_246, %mul3A_248 : i32
          %get3A_250 = arith.index_cast %add3A_249 : i32 to index
          %get3A_251 = tpu.vector_load %arg7[%get3A_250] {strides = array<i32>} : memref<16384xi32, #tpu.memory_space<vmem>>, vector<16xi32>,
          %gather3A_252 = tpu.vector_load_idx %arg6[%get3A_251] : memref<100096xf32, #tpu.memory_space<vmem>>[vector<16xi32>], vector<16xf32>,
          %mul3A_253 = arith.constant 16 : i32
          %mul3A_254 = arith.muli %scan3A_244, %mul3A_253 : i32
          %swap3A_255 = arith.index_cast %mul3A_254 : i32 to index
          %swap3A_256 = tpu.vector_load %arg8[%swap3A_255] {strides = array<i32>} : memref<4096xf32, #tpu.memory_space<vmem>>, vector<16xf32>,
          tpu.vector_store %arg8[%swap3A_255], %gather3A_252 {strides = array<i32>} : memref<4096xf32, #tpu.memory_space<vmem>>, vector<16xf32>,
          %scan3A_257 = arith.constant 0 : i32
          scf.yield %scan3A_257 : i32
        }
        %scan3A_137 = arith.constant 256 : i32
        %mul3A_138 = arith.constant 4096 : i32
        %mul3A_139 = arith.muli %scan3A_129, %mul3A_138 : i32
        "tpu.region"() ({
          %run_scoped3A = tpu.sem_alloc : memref<!tpu.dma_semaphore, #tpu.memory_space<semaphore_mem>>
          %dma_start3A_141 = tpu.memref_slice %arg5[%add3A_21, %mul3A_139] : memref<1000x16384xf32, #tpu.memory_space<hbm>> -> memref<1x4096xf32, #tpu.memory_space<hbm>>
          %dma_start3A_142 = tpu.memref_squeeze %dma_start3A_141 : memref<1x4096xf32, #tpu.memory_space<hbm>> -> memref<4096xf32, #tpu.memory_space<hbm>>
          %dma_start3A_143 = tpu.memref_slice %arg5[%add3A_21, %mul3A_139] : memref<1000x16384xf32, #tpu.memory_space<hbm>> -> memref<1x4096xf32, #tpu.memory_space<hbm>>
          %dma_start3A_144 = tpu.memref_squeeze %dma_start3A_143 : memref<1x4096xf32, #tpu.memory_space<hbm>> -> memref<4096xf32, #tpu.memory_space<hbm>>
          tpu.enqueue_dma source(%arg8 : memref<4096xf32, #tpu.memory_space<vmem>>) target(%dma_start3A_144 : memref<4096xf32, #tpu.memory_space<hbm>>) target_semaphore(%run_scoped3A : memref<!tpu.dma_semaphore, #tpu.memory_space<semaphore_mem>>)
          %dma_wait3A_145 = tpu.memref_slice %arg5[%add3A_21, %mul3A_139] : memref<1000x16384xf32, #tpu.memory_space<hbm>> -> memref<1x4096xf32, #tpu.memory_space<hbm>>
          %dma_wait3A_146 = tpu.memref_squeeze %dma_wait3A_145 : memref<1x4096xf32, #tpu.memory_space<hbm>> -> memref<4096xf32, #tpu.memory_space<hbm>>
          %dma_wait3A_147 = tpu.memref_slice %arg5[%add3A_21, %mul3A_139] : memref<1000x16384xf32, #tpu.memory_space<hbm>> -> memref<1x4096xf32, #tpu.memory_space<hbm>>
          %dma_wait3A_148 = tpu.memref_squeeze %dma_wait3A_147 : memref<1x4096xf32, #tpu.memory_space<hbm>> -> memref<4096xf32, #tpu.memory_space<hbm>>
          tpu.wait_dma2 semaphore(%run_scoped3A : memref<!tpu.dma_semaphore, #tpu.memory_space<semaphore_mem>>) src(%arg8 : memref<4096xf32, #tpu.memory_space<vmem>>) dst(%dma_wait3A_148 : memref<4096xf32, #tpu.memory_space<hbm>>)
          tpu.yield
        }) : () -> ()
        %scan3A_140 = arith.constant 0 : i32
        scf.yield %scan3A_140 : i32
      }
      %scan3A_127 = arith.constant 4 : i32
      %while3A_128 = arith.constant 0 : i32
      scf.yield %while3A_128 : i32
    }
    %while3A_17 = arith.constant 1 : i32
    %while3A_18 = scf.for %while3A_19 = %while3A_14 to %while3A_10 step %while3A_17 iter_args(%while3A_20 = %while3A_16) -> (i32)  : i32 {
      %add3A_21 = arith.addi %add3A_4, %while3A_19 : i32
      %add3A_22 = arith.constant 0 : i32
      %add3A_23 = arith.addi %add3A_22, %add3A_21 : i32
      %dma_start3A = arith.constant 0 : i32
      %dma_start3A_24 = tpu.memref_slice %arg6[%dma_start3A] : memref<100096xf32, #tpu.memory_space<vmem>> -> memref<25088xf32, #tpu.memory_space<vmem>>
      %dma_start3A_25 = arith.constant 0 : i32
      %dma_start3A_26 = tpu.memref_slice %arg3[%add3A_23, %dma_start3A_25] : memref<1000x100000xf32, #tpu.memory_space<hbm>> -> memref<1x25088xf32, #tpu.memory_space<hbm>>
      %dma_start3A_27 = tpu.memref_squeeze %dma_start3A_26 : memref<1x25088xf32, #tpu.memory_space<hbm>> -> memref<25088xf32, #tpu.memory_space<hbm>>
      %dma_start3A_28 = arith.constant 0 : i32
      %dma_start3A_29 = tpu.memref_slice %arg6[%dma_start3A_28] : memref<100096xf32, #tpu.memory_space<vmem>> -> memref<25088xf32, #tpu.memory_space<vmem>>
      %dma_start3A_30 = arith.constant 0 : i32
      %dma_start3A_31 = tpu.memref_slice %arg3[%add3A_23, %dma_start3A_30] : memref<1000x100000xf32, #tpu.memory_space<hbm>> -> memref<1x25088xf32, #tpu.memory_space<hbm>>
      %dma_start3A_32 = tpu.memref_squeeze %dma_start3A_31 : memref<1x25088xf32, #tpu.memory_space<hbm>> -> memref<25088xf32, #tpu.memory_space<hbm>>
      tpu.enqueue_dma source(%dma_start3A_32 : memref<25088xf32, #tpu.memory_space<hbm>>) target(%dma_start3A_29 : memref<25088xf32, #tpu.memory_space<vmem>>) target_semaphore(%arg9 : memref<!tpu.dma_semaphore, #tpu.memory_space<semaphore_mem>>)
      %dma_start3A_33 = arith.constant 25088 : i32
      %dma_start3A_34 = tpu.memref_slice %arg6[%dma_start3A_33] : memref<100096xf32, #tpu.memory_space<vmem>> -> memref<25088xf32, #tpu.memory_space<vmem>>
      %dma_start3A_35 = arith.constant 25088 : i32
      %dma_start3A_36 = tpu.memref_slice %arg3[%add3A_23, %dma_start3A_35] : memref<1000x100000xf32, #tpu.memory_space<hbm>> -> memref<1x25088xf32, #tpu.memory_space<hbm>>
      %dma_start3A_37 = tpu.memref_squeeze %dma_start3A_36 : memref<1x25088xf32, #tpu.memory_space<hbm>> -> memref<25088xf32, #tpu.memory_space<hbm>>
      %dma_start3A_38 = arith.constant 25088 : i32
      %dma_start3A_39 = tpu.memref_slice %arg6[%dma_start3A_38] : memref<100096xf32, #tpu.memory_space<vmem>> -> memref<25088xf32, #tpu.memory_space<vmem>>
      %dma_start3A_40 = arith.constant 25088 : i32
      %dma_start3A_41 = tpu.memref_slice %arg3[%add3A_23, %dma_start3A_40] : memref<1000x100000xf32, #tpu.memory_space<hbm>> -> memref<1x25088xf32, #tpu.memory_space<hbm>>
      %dma_start3A_42 = tpu.memref_squeeze %dma_start3A_41 : memref<1x25088xf32, #tpu.memory_space<hbm>> -> memref<25088xf32, #tpu.memory_space<hbm>>
      tpu.enqueue_dma source(%dma_start3A_42 : memref<25088xf32, #tpu.memory_space<hbm>>) target(%dma_start3A_39 : memref<25088xf32, #tpu.memory_space<vmem>>) target_semaphore(%arg9 : memref<!tpu.dma_semaphore, #tpu.memory_space<semaphore_mem>>)
      %dma_start3A_43 = arith.constant 50176 : i32
      %dma_start3A_44 = tpu.memref_slice %arg6[%dma_start3A_43] : memref<100096xf32, #tpu.memory_space<vmem>> -> memref<25088xf32, #tpu.memory_space<vmem>>
      %dma_start3A_45 = arith.constant 50176 : i32
      %dma_start3A_46 = tpu.memref_slice %arg3[%add3A_23, %dma_start3A_45] : memref<1000x100000xf32, #tpu.memory_space<hbm>> -> memref<1x25088xf32, #tpu.memory_space<hbm>>
      %dma_start3A_47 = tpu.memref_squeeze %dma_start3A_46 : memref<1x25088xf32, #tpu.memory_space<hbm>> -> memref<25088xf32, #tpu.memory_space<hbm>>
      %dma_start3A_48 = arith.constant 50176 : i32
      %dma_start3A_49 = tpu.memref_slice %arg6[%dma_start3A_48] : memref<100096xf32, #tpu.memory_space<vmem>> -> memref<25088xf32, #tpu.memory_space<vmem>>
      %dma_start3A_50 = arith.constant 50176 : i32
      %dma_start3A_51 = tpu.memref_slice %arg3[%add3A_23, %dma_start3A_50] : memref<1000x100000xf32, #tpu.memory_space<hbm>> -> memref<1x25088xf32, #tpu.memory_space<hbm>>
      %dma_start3A_52 = tpu.memref_squeeze %dma_start3A_51 : memref<1x25088xf32, #tpu.memory_space<hbm>> -> memref<25088xf32, #tpu.memory_space<hbm>>
      tpu.enqueue_dma source(%dma_start3A_52 : memref<25088xf32, #tpu.memory_space<hbm>>) target(%dma_start3A_49 : memref<25088xf32, #tpu.memory_space<vmem>>) target_semaphore(%arg9 : memref<!tpu.dma_semaphore, #tpu.memory_space<semaphore_mem>>)
      %dma_start3A_53 = arith.constant 75264 : i32
      %dma_start3A_54 = tpu.memref_slice %arg6[%dma_start3A_53] : memref<100096xf32, #tpu.memory_space<vmem>> -> memref<24704xf32, #tpu.memory_space<vmem>>
      %dma_start3A_55 = arith.constant 75264 : i32
      %dma_start3A_56 = tpu.memref_slice %arg3[%add3A_23, %dma_start3A_55] : memref<1000x100000xf32, #tpu.memory_space<hbm>> -> memref<1x24704xf32, #tpu.memory_space<hbm>>
      %dma_start3A_57 = tpu.memref_squeeze %dma_start3A_56 : memref<1x24704xf32, #tpu.memory_space<hbm>> -> memref<24704xf32, #tpu.memory_space<hbm>>
      %dma_start3A_58 = arith.constant 75264 : i32
      %dma_start3A_59 = tpu.memref_slice %arg6[%dma_start3A_58] : memref<100096xf32, #tpu.memory_space<vmem>> -> memref<24704xf32, #tpu.memory_space<vmem>>
      %dma_start3A_60 = arith.constant 75264 : i32
      %dma_start3A_61 = tpu.memref_slice %arg3[%add3A_23, %dma_start3A_60] : memref<1000x100000xf32, #tpu.memory_space<hbm>> -> memref<1x24704xf32, #tpu.memory_space<hbm>>
      %dma_start3A_62 = tpu.memref_squeeze %dma_start3A_61 : memref<1x24704xf32, #tpu.memory_space<hbm>> -> memref<24704xf32, #tpu.memory_space<hbm>>
      tpu.enqueue_dma source(%dma_start3A_62 : memref<24704xf32, #tpu.memory_space<hbm>>) target(%dma_start3A_59 : memref<24704xf32, #tpu.memory_space<vmem>>) target_semaphore(%arg9 : memref<!tpu.dma_semaphore, #tpu.memory_space<semaphore_mem>>)
      %dma_start3A_63 = arith.constant 99968 : i32
      %dma_start3A_64 = tpu.memref_slice %arg6[%dma_start3A_63] : memref<100096xf32, #tpu.memory_space<vmem>> -> memref<128xf32, #tpu.memory_space<vmem>>
      %dma_start3A_65 = arith.constant 0 : i32
      %dma_start3A_66 = tpu.memref_slice %arg4[%add3A_23, %dma_start3A_65] : memref<1000x128xf32, #tpu.memory_space<hbm>> -> memref<1x128xf32, #tpu.memory_space<hbm>>
      %dma_start3A_67 = tpu.memref_squeeze %dma_start3A_66 : memref<1x128xf32, #tpu.memory_space<hbm>> -> memref<128xf32, #tpu.memory_space<hbm>>
      %dma_start3A_68 = arith.constant 99968 : i32
      %dma_start3A_69 = tpu.memref_slice %arg6[%dma_start3A_68] : memref<100096xf32, #tpu.memory_space<vmem>> -> memref<128xf32, #tpu.memory_space<vmem>>
      %dma_start3A_70 = arith.constant 0 : i32
      %dma_start3A_71 = tpu.memref_slice %arg4[%add3A_23, %dma_start3A_70] : memref<1000x128xf32, #tpu.memory_space<hbm>> -> memref<1x128xf32, #tpu.memory_space<hbm>>
      %dma_start3A_72 = tpu.memref_squeeze %dma_start3A_71 : memref<1x128xf32, #tpu.memory_space<hbm>> -> memref<128xf32, #tpu.memory_space<hbm>>
      tpu.enqueue_dma source(%dma_start3A_72 : memref<128xf32, #tpu.memory_space<hbm>>) target(%dma_start3A_69 : memref<128xf32, #tpu.memory_space<vmem>>) target_semaphore(%arg9 : memref<!tpu.dma_semaphore, #tpu.memory_space<semaphore_mem>>)
      %dma_wait3A = arith.constant 0 : i32
      %dma_wait3A_73 = tpu.memref_slice %arg6[%dma_wait3A] : memref<100096xf32, #tpu.memory_space<vmem>> -> memref<25088xf32, #tpu.memory_space<vmem>>
      %dma_wait3A_74 = arith.constant 0 : i32
      %dma_wait3A_75 = tpu.memref_slice %arg3[%add3A_23, %dma_wait3A_74] : memref<1000x100000xf32, #tpu.memory_space<hbm>> -> memref<1x25088xf32, #tpu.memory_space<hbm>>
      %dma_wait3A_76 = tpu.memref_squeeze %dma_wait3A_75 : memref<1x25088xf32, #tpu.memory_space<hbm>> -> memref<25088xf32, #tpu.memory_space<hbm>>
      %dma_wait3A_77 = arith.constant 0 : i32
      %dma_wait3A_78 = tpu.memref_slice %arg6[%dma_wait3A_77] : memref<100096xf32, #tpu.memory_space<vmem>> -> memref<25088xf32, #tpu.memory_space<vmem>>
      %dma_wait3A_79 = arith.constant 0 : i32
      %dma_wait3A_80 = tpu.memref_slice %arg3[%add3A_23, %dma_wait3A_79] : memref<1000x100000xf32, #tpu.memory_space<hbm>> -> memref<1x25088xf32, #tpu.memory_space<hbm>>
      %dma_wait3A_81 = tpu.memref_squeeze %dma_wait3A_80 : memref<1x25088xf32, #tpu.memory_space<hbm>> -> memref<25088xf32, #tpu.memory_space<hbm>>
      tpu.wait_dma2 semaphore(%arg9 : memref<!tpu.dma_semaphore, #tpu.memory_space<semaphore_mem>>) src(%dma_wait3A_81 : memref<25088xf32, #tpu.memory_space<hbm>>) dst(%dma_wait3A_78 : memref<25088xf32, #tpu.memory_space<vmem>>)
      %dma_wait3A_82 = arith.constant 25088 : i32
      %dma_wait3A_83 = tpu.memref_slice %arg6[%dma_wait3A_82] : memref<100096xf32, #tpu.memory_space<vmem>> -> memref<25088xf32, #tpu.memory_space<vmem>>
      %dma_wait3A_84 = arith.constant 25088 : i32
      %dma_wait3A_85 = tpu.memref_slice %arg3[%add3A_23, %dma_wait3A_84] : memref<1000x100000xf32, #tpu.memory_space<hbm>> -> memref<1x25088xf32, #tpu.memory_space<hbm>>
      %dma_wait3A_86 = tpu.memref_squeeze %dma_wait3A_85 : memref<1x25088xf32, #tpu.memory_space<hbm>> -> memref<25088xf32, #tpu.memory_space<hbm>>
      %dma_wait3A_87 = arith.constant 25088 : i32
      %dma_wait3A_88 = tpu.memref_slice %arg6[%dma_wait3A_87] : memref<100096xf32, #tpu.memory_space<vmem>> -> memref<25088xf32, #tpu.memory_space<vmem>>
      %dma_wait3A_89 = arith.constant 25088 : i32
      %dma_wait3A_90 = tpu.memref_slice %arg3[%add3A_23, %dma_wait3A_89] : memref<1000x100000xf32, #tpu.memory_space<hbm>> -> memref<1x25088xf32, #tpu.memory_space<hbm>>
      %dma_wait3A_91 = tpu.memref_squeeze %dma_wait3A_90 : memref<1x25088xf32, #tpu.memory_space<hbm>> -> memref<25088xf32, #tpu.memory_space<hbm>>
      tpu.wait_dma2 semaphore(%arg9 : memref<!tpu.dma_semaphore, #tpu.memory_space<semaphore_mem>>) src(%dma_wait3A_91 : memref<25088xf32, #tpu.memory_space<hbm>>) dst(%dma_wait3A_88 : memref<25088xf32, #tpu.memory_space<vmem>>)
      %dma_wait3A_92 = arith.constant 50176 : i32
      %dma_wait3A_93 = tpu.memref_slice %arg6[%dma_wait3A_92] : memref<100096xf32, #tpu.memory_space<vmem>> -> memref<25088xf32, #tpu.memory_space<vmem>>
      %dma_wait3A_94 = arith.constant 50176 : i32
      %dma_wait3A_95 = tpu.memref_slice %arg3[%add3A_23, %dma_wait3A_94] : memref<1000x100000xf32, #tpu.memory_space<hbm>> -> memref<1x25088xf32, #tpu.memory_space<hbm>>
      %dma_wait3A_96 = tpu.memref_squeeze %dma_wait3A_95 : memref<1x25088xf32, #tpu.memory_space<hbm>> -> memref<25088xf32, #tpu.memory_space<hbm>>
      %dma_wait3A_97 = arith.constant 50176 : i32
      %dma_wait3A_98 = tpu.memref_slice %arg6[%dma_wait3A_97] : memref<100096xf32, #tpu.memory_space<vmem>> -> memref<25088xf32, #tpu.memory_space<vmem>>
      %dma_wait3A_99 = arith.constant 50176 : i32
      %dma_wait3A_100 = tpu.memref_slice %arg3[%add3A_23, %dma_wait3A_99] : memref<1000x100000xf32, #tpu.memory_space<hbm>> -> memref<1x25088xf32, #tpu.memory_space<hbm>>
      %dma_wait3A_101 = tpu.memref_squeeze %dma_wait3A_100 : memref<1x25088xf32, #tpu.memory_space<hbm>> -> memref<25088xf32, #tpu.memory_space<hbm>>
      tpu.wait_dma2 semaphore(%arg9 : memref<!tpu.dma_semaphore, #tpu.memory_space<semaphore_mem>>) src(%dma_wait3A_101 : memref<25088xf32, #tpu.memory_space<hbm>>) dst(%dma_wait3A_98 : memref<25088xf32, #tpu.memory_space<vmem>>)
      %dma_wait3A_102 = arith.constant 75264 : i32
      %dma_wait3A_103 = tpu.memref_slice %arg6[%dma_wait3A_102] : memref<100096xf32, #tpu.memory_space<vmem>> -> memref<24704xf32, #tpu.memory_space<vmem>>
      %dma_wait3A_104 = arith.constant 75264 : i32
      %dma_wait3A_105 = tpu.memref_slice %arg3[%add3A_23, %dma_wait3A_104] : memref<1000x100000xf32, #tpu.memory_space<hbm>> -> memref<1x24704xf32, #tpu.memory_space<hbm>>
      %dma_wait3A_106 = tpu.memref_squeeze %dma_wait3A_105 : memref<1x24704xf32, #tpu.memory_space<hbm>> -> memref<24704xf32, #tpu.memory_space<hbm>>
      %dma_wait3A_107 = arith.constant 75264 : i32
      %dma_wait3A_108 = tpu.memref_slice %arg6[%dma_wait3A_107] : memref<100096xf32, #tpu.memory_space<vmem>> -> memref<24704xf32, #tpu.memory_space<vmem>>
      %dma_wait3A_109 = arith.constant 75264 : i32
      %dma_wait3A_110 = tpu.memref_slice %arg3[%add3A_23, %dma_wait3A_109] : memref<1000x100000xf32, #tpu.memory_space<hbm>> -> memref<1x24704xf32, #tpu.memory_space<hbm>>
      %dma_wait3A_111 = tpu.memref_squeeze %dma_wait3A_110 : memref<1x24704xf32, #tpu.memory_space<hbm>> -> memref<24704xf32, #tpu.memory_space<hbm>>
      tpu.wait_dma2 semaphore(%arg9 : memref<!tpu.dma_semaphore, #tpu.memory_space<semaphore_mem>>) src(%dma_wait3A_111 : memref<24704xf32, #tpu.memory_space<hbm>>) dst(%dma_wait3A_108 : memref<24704xf32, #tpu.memory_space<vmem>>)
      %dma_wait3A_112 = arith.constant 99968 : i32
      %dma_wait3A_113 = tpu.memref_slice %arg6[%dma_wait3A_112] : memref<100096xf32, #tpu.memory_space<vmem>> -> memref<128xf32, #tpu.memory_space<vmem>>
      %dma_wait3A_114 = arith.constant 0 : i32
      %dma_wait3A_115 = tpu.memref_slice %arg4[%add3A_23, %dma_wait3A_114] : memref<1000x128xf32, #tpu.memory_space<hbm>> -> memref<1x128xf32, #tpu.memory_space<hbm>>
      %dma_wait3A_116 = tpu.memref_squeeze %dma_wait3A_115 : memref<1x128xf32, #tpu.memory_space<hbm>> -> memref<128xf32, #tpu.memory_space<hbm>>
      %dma_wait3A_117 = arith.constant 99968 : i32
      %dma_wait3A_118 = tpu.memref_slice %arg6[%dma_wait3A_117] : memref<100096xf32, #tpu.memory_space<vmem>> -> memref<128xf32, #tpu.memory_space<vmem>>
      %dma_wait3A_119 = arith.constant 0 : i32
      %dma_wait3A_120 = tpu.memref_slice %arg4[%add3A_23, %dma_wait3A_119] : memref<1000x128xf32, #tpu.memory_space<hbm>> -> memref<1x128xf32, #tpu.memory_space<hbm>>
      %dma_wait3A_121 = tpu.memref_squeeze %dma_wait3A_120 : memref<1x128xf32, #tpu.memory_space<hbm>> -> memref<128xf32, #tpu.memory_space<hbm>>
      tpu.wait_dma2 semaphore(%arg9 : memref<!tpu.dma_semaphore, #tpu.memory_space<semaphore_mem>>) src(%dma_wait3A_121 : memref<128xf32, #tpu.memory_space<hbm>>) dst(%dma_wait3A_118 : memref<128xf32, #tpu.memory_space<vmem>>)
      %scan3A = arith.constant 0 : i32
      %scan3A_122 = arith.constant 0 : i32
      %scan3A_123 = arith.constant 4 : i32
      %scan3A_124 = arith.addi %scan3A_122, %scan3A_123 : i32
      %scan3A_125 = arith.constant 1 : i32
      %scan3A_126 = scf.for %scan3A_129 = %scan3A_122 to %scan3A_124 step %scan3A_125 iter_args(%scan3A_130 = %scan3A) -> (i32)  : i32 {
        %scan3A_131 = arith.constant 0 : i32
        %scan3A_132 = arith.constant 0 : i32
        %scan3A_133 = arith.constant 256 : i32
        %scan3A_134 = arith.addi %scan3A_132, %scan3A_133 : i32
        %scan3A_135 = arith.constant 8 : i32
        %scan3A_136 = scf.for %scan3A_141 = %scan3A_132 to %scan3A_134 step %scan3A_135 iter_args(%scan3A_142 = %scan3A_131) -> (i32)  : i32 {
          %mul3A_143 = arith.constant 4096 : i32
          %mul3A_144 = arith.muli %scan3A_129, %mul3A_143 : i32
          %mul3A_145 = arith.constant 16 : i32
          %mul3A_146 = arith.muli %scan3A_141, %mul3A_145 : i32
          %add3A_147 = arith.addi %mul3A_144, %mul3A_146 : i32
          %get3A = arith.index_cast %add3A_147 : i32 to index
          %get3A_148 = tpu.vector_load %arg7[%get3A] {strides = array<i32>} : memref<16384xi32, #tpu.memory_space<vmem>>, vector<16xi32>,
          %gather3A = tpu.vector_load_idx %arg6[%get3A_148] : memref<100096xf32, #tpu.memory_space<vmem>>[vector<16xi32>], vector<16xf32>,
          %mul3A_149 = arith.constant 16 : i32
          %mul3A_150 = arith.muli %scan3A_141, %mul3A_149 : i32
          %swap3A = arith.index_cast %mul3A_150 : i32 to index
          %swap3A_151 = tpu.vector_load %arg8[%swap3A] {strides = array<i32>} : memref<4096xf32, #tpu.memory_space<vmem>>, vector<16xf32>,
          tpu.vector_store %arg8[%swap3A], %gather3A {strides = array<i32>} : memref<4096xf32, #tpu.memory_space<vmem>>, vector<16xf32>,
          %scan3A_152 = arith.constant 0 : i32
          %scan3A_153 = arith.constant 1 : i32
          %scan3A_154 = arith.addi %scan3A_141, %scan3A_153 : i32
          %mul3A_155 = arith.constant 4096 : i32
          %mul3A_156 = arith.muli %scan3A_129, %mul3A_155 : i32
          %mul3A_157 = arith.constant 16 : i32
          %mul3A_158 = arith.muli %scan3A_154, %mul3A_157 : i32
          %add3A_159 = arith.addi %mul3A_156, %mul3A_158 : i32
          %get3A_160 = arith.index_cast %add3A_159 : i32 to index
          %get3A_161 = tpu.vector_load %arg7[%get3A_160] {strides = array<i32>} : memref<16384xi32, #tpu.memory_space<vmem>>, vector<16xi32>,
          %gather3A_162 = tpu.vector_load_idx %arg6[%get3A_161] : memref<100096xf32, #tpu.memory_space<vmem>>[vector<16xi32>], vector<16xf32>,
          %mul3A_163 = arith.constant 16 : i32
          %mul3A_164 = arith.muli %scan3A_154, %mul3A_163 : i32
          %swap3A_165 = arith.index_cast %mul3A_164 : i32 to index
          %swap3A_166 = tpu.vector_load %arg8[%swap3A_165] {strides = array<i32>} : memref<4096xf32, #tpu.memory_space<vmem>>, vector<16xf32>,
          tpu.vector_store %arg8[%swap3A_165], %gather3A_162 {strides = array<i32>} : memref<4096xf32, #tpu.memory_space<vmem>>, vector<16xf32>,
          %scan3A_167 = arith.constant 0 : i32
          %scan3A_168 = arith.constant 2 : i32
          %scan3A_169 = arith.addi %scan3A_141, %scan3A_168 : i32
          %mul3A_170 = arith.constant 4096 : i32
          %mul3A_171 = arith.muli %scan3A_129, %mul3A_170 : i32
          %mul3A_172 = arith.constant 16 : i32
          %mul3A_173 = arith.muli %scan3A_169, %mul3A_172 : i32
          %add3A_174 = arith.addi %mul3A_171, %mul3A_173 : i32
          %get3A_175 = arith.index_cast %add3A_174 : i32 to index
          %get3A_176 = tpu.vector_load %arg7[%get3A_175] {strides = array<i32>} : memref<16384xi32, #tpu.memory_space<vmem>>, vector<16xi32>,
          %gather3A_177 = tpu.vector_load_idx %arg6[%get3A_176] : memref<100096xf32, #tpu.memory_space<vmem>>[vector<16xi32>], vector<16xf32>,
          %mul3A_178 = arith.constant 16 : i32
          %mul3A_179 = arith.muli %scan3A_169, %mul3A_178 : i32
          %swap3A_180 = arith.index_cast %mul3A_179 : i32 to index
          %swap3A_181 = tpu.vector_load %arg8[%swap3A_180] {strides = array<i32>} : memref<4096xf32, #tpu.memory_space<vmem>>, vector<16xf32>,
          tpu.vector_store %arg8[%swap3A_180], %gather3A_177 {strides = array<i32>} : memref<4096xf32, #tpu.memory_space<vmem>>, vector<16xf32>,
          %scan3A_182 = arith.constant 0 : i32
          %scan3A_183 = arith.constant 3 : i32
          %scan3A_184 = arith.addi %scan3A_141, %scan3A_183 : i32
          %mul3A_185 = arith.constant 4096 : i32
          %mul3A_186 = arith.muli %scan3A_129, %mul3A_185 : i32
          %mul3A_187 = arith.constant 16 : i32
          %mul3A_188 = arith.muli %scan3A_184, %mul3A_187 : i32
          %add3A_189 = arith.addi %mul3A_186, %mul3A_188 : i32
          %get3A_190 = arith.index_cast %add3A_189 : i32 to index
          %get3A_191 = tpu.vector_load %arg7[%get3A_190] {strides = array<i32>} : memref<16384xi32, #tpu.memory_space<vmem>>, vector<16xi32>,
          %gather3A_192 = tpu.vector_load_idx %arg6[%get3A_191] : memref<100096xf32, #tpu.memory_space<vmem>>[vector<16xi32>], vector<16xf32>,
          %mul3A_193 = arith.constant 16 : i32
          %mul3A_194 = arith.muli %scan3A_184, %mul3A_193 : i32
          %swap3A_195 = arith.index_cast %mul3A_194 : i32 to index
          %swap3A_196 = tpu.vector_load %arg8[%swap3A_195] {strides = array<i32>} : memref<4096xf32, #tpu.memory_space<vmem>>, vector<16xf32>,
          tpu.vector_store %arg8[%swap3A_195], %gather3A_192 {strides = array<i32>} : memref<4096xf32, #tpu.memory_space<vmem>>, vector<16xf32>,
          %scan3A_197 = arith.constant 0 : i32
          %scan3A_198 = arith.constant 4 : i32
          %scan3A_199 = arith.addi %scan3A_141, %scan3A_198 : i32
          %mul3A_200 = arith.constant 4096 : i32
          %mul3A_201 = arith.muli %scan3A_129, %mul3A_200 : i32
          %mul3A_202 = arith.constant 16 : i32
          %mul3A_203 = arith.muli %scan3A_199, %mul3A_202 : i32
          %add3A_204 = arith.addi %mul3A_201, %mul3A_203 : i32
          %get3A_205 = arith.index_cast %add3A_204 : i32 to index
          %get3A_206 = tpu.vector_load %arg7[%get3A_205] {strides = array<i32>} : memref<16384xi32, #tpu.memory_space<vmem>>, vector<16xi32>,
          %gather3A_207 = tpu.vector_load_idx %arg6[%get3A_206] : memref<100096xf32, #tpu.memory_space<vmem>>[vector<16xi32>], vector<16xf32>,
          %mul3A_208 = arith.constant 16 : i32
          %mul3A_209 = arith.muli %scan3A_199, %mul3A_208 : i32
          %swap3A_210 = arith.index_cast %mul3A_209 : i32 to index
          %swap3A_211 = tpu.vector_load %arg8[%swap3A_210] {strides = array<i32>} : memref<4096xf32, #tpu.memory_space<vmem>>, vector<16xf32>,
          tpu.vector_store %arg8[%swap3A_210], %gather3A_207 {strides = array<i32>} : memref<4096xf32, #tpu.memory_space<vmem>>, vector<16xf32>,
          %scan3A_212 = arith.constant 0 : i32
          %scan3A_213 = arith.constant 5 : i32
          %scan3A_214 = arith.addi %scan3A_141, %scan3A_213 : i32
          %mul3A_215 = arith.constant 4096 : i32
          %mul3A_216 = arith.muli %scan3A_129, %mul3A_215 : i32
          %mul3A_217 = arith.constant 16 : i32
          %mul3A_218 = arith.muli %scan3A_214, %mul3A_217 : i32
          %add3A_219 = arith.addi %mul3A_216, %mul3A_218 : i32
          %get3A_220 = arith.index_cast %add3A_219 : i32 to index
          %get3A_221 = tpu.vector_load %arg7[%get3A_220] {strides = array<i32>} : memref<16384xi32, #tpu.memory_space<vmem>>, vector<16xi32>,
          %gather3A_222 = tpu.vector_load_idx %arg6[%get3A_221] : memref<100096xf32, #tpu.memory_space<vmem>>[vector<16xi32>], vector<16xf32>,
          %mul3A_223 = arith.constant 16 : i32
          %mul3A_224 = arith.muli %scan3A_214, %mul3A_223 : i32
          %swap3A_225 = arith.index_cast %mul3A_224 : i32 to index
          %swap3A_226 = tpu.vector_load %arg8[%swap3A_225] {strides = array<i32>} : memref<4096xf32, #tpu.memory_space<vmem>>, vector<16xf32>,
          tpu.vector_store %arg8[%swap3A_225], %gather3A_222 {strides = array<i32>} : memref<4096xf32, #tpu.memory_space<vmem>>, vector<16xf32>,
          %scan3A_227 = arith.constant 0 : i32
          %scan3A_228 = arith.constant 6 : i32
          %scan3A_229 = arith.addi %scan3A_141, %scan3A_228 : i32
          %mul3A_230 = arith.constant 4096 : i32
          %mul3A_231 = arith.muli %scan3A_129, %mul3A_230 : i32
          %mul3A_232 = arith.constant 16 : i32
          %mul3A_233 = arith.muli %scan3A_229, %mul3A_232 : i32
          %add3A_234 = arith.addi %mul3A_231, %mul3A_233 : i32
          %get3A_235 = arith.index_cast %add3A_234 : i32 to index
          %get3A_236 = tpu.vector_load %arg7[%get3A_235] {strides = array<i32>} : memref<16384xi32, #tpu.memory_space<vmem>>, vector<16xi32>,
          %gather3A_237 = tpu.vector_load_idx %arg6[%get3A_236] : memref<100096xf32, #tpu.memory_space<vmem>>[vector<16xi32>], vector<16xf32>,
          %mul3A_238 = arith.constant 16 : i32
          %mul3A_239 = arith.muli %scan3A_229, %mul3A_238 : i32
          %swap3A_240 = arith.index_cast %mul3A_239 : i32 to index
          %swap3A_241 = tpu.vector_load %arg8[%swap3A_240] {strides = array<i32>} : memref<4096xf32, #tpu.memory_space<vmem>>, vector<16xf32>,
          tpu.vector_store %arg8[%swap3A_240], %gather3A_237 {strides = array<i32>} : memref<4096xf32, #tpu.memory_space<vmem>>, vector<16xf32>,
          %scan3A_242 = arith.constant 0 : i32
          %scan3A_243 = arith.constant 7 : i32
          %scan3A_244 = arith.addi %scan3A_141, %scan3A_243 : i32
          %mul3A_245 = arith.constant 4096 : i32
          %mul3A_246 = arith.muli %scan3A_129, %mul3A_245 : i32
          %mul3A_247 = arith.constant 16 : i32
          %mul3A_248 = arith.muli %scan3A_244, %mul3A_247 : i32
          %add3A_249 = arith.addi %mul3A_246, %mul3A_248 : i32
          %get3A_250 = arith.index_cast %add3A_249 : i32 to index
          %get3A_251 = tpu.vector_load %arg7[%get3A_250] {strides = array<i32>} : memref<16384xi32, #tpu.memory_space<vmem>>, vector<16xi32>,
          %gather3A_252 = tpu.vector_load_idx %arg6[%get3A_251] : memref<100096xf32, #tpu.memory_space<vmem>>[vector<16xi32>], vector<16xf32>,
          %mul3A_253 = arith.constant 16 : i32
          %mul3A_254 = arith.muli %scan3A_244, %mul3A_253 : i32
          %swap3A_255 = arith.index_cast %mul3A_254 : i32 to index
          %swap3A_256 = tpu.vector_load %arg8[%swap3A_255] {strides = array<i32>} : memref<4096xf32, #tpu.memory_space<vmem>>, vector<16xf32>,
          tpu.vector_store %arg8[%swap3A_255], %gather3A_252 {strides = array<i32>} : memref<4096xf32, #tpu.memory_space<vmem>>, vector<16xf32>,
          %scan3A_257 = arith.constant 0 : i32
          scf.yield %scan3A_257 : i32
        }
        %scan3A_137 = arith.constant 256 : i32
        %mul3A_138 = arith.constant 4096 : i32
        %mul3A_139 = arith.muli %scan3A_129, %mul3A_138 : i32
        "tpu.region"() ({
          %run_scoped3A = tpu.sem_alloc : memref<!tpu.dma_semaphore, #tpu.memory_space<semaphore_mem>>
          %dma_start3A_141 = tpu.memref_slice %arg5[%add3A_21, %mul3A_139] : memref<1000x16384xf32, #tpu.memory_space<hbm>> -> memref<1x4096xf32, #tpu.memory_space<hbm>>
          %dma_start3A_142 = tpu.memref_squeeze %dma_start3A_141 : memref<1x4096xf32, #tpu.memory_space<hbm>> -> memref<4096xf32, #tpu.memory_space<hbm>>
          %dma_start3A_143 = tpu.memref_slice %arg5[%add3A_21, %mul3A_139] : memref<1000x16384xf32, #tpu.memory_space<hbm>> -> memref<1x4096xf32, #tpu.memory_space<hbm>>
          %dma_start3A_144 = tpu.memref_squeeze %dma_start3A_143 : memref<1x4096xf32, #tpu.memory_space<hbm>> -> memref<4096xf32, #tpu.memory_space<hbm>>
          tpu.enqueue_dma source(%arg8 : memref<4096xf32, #tpu.memory_space<vmem>>) target(%dma_start3A_144 : memref<4096xf32, #tpu.memory_space<hbm>>) target_semaphore(%run_scoped3A : memref<!tpu.dma_semaphore, #tpu.memory_space<semaphore_mem>>)
          %dma_wait3A_145 = tpu.memref_slice %arg5[%add3A_21, %mul3A_139] : memref<1000x16384xf32, #tpu.memory_space<hbm>> -> memref<1x4096xf32, #tpu.memory_space<hbm>>
          %dma_wait3A_146 = tpu.memref_squeeze %dma_wait3A_145 : memref<1x4096xf32, #tpu.memory_space<hbm>> -> memref<4096xf32, #tpu.memory_space<hbm>>
          %dma_wait3A_147 = tpu.memref_slice %arg5[%add3A_21, %mul3A_139] : memref<1000x16384xf32, #tpu.memory_space<hbm>> -> memref<1x4096xf32, #tpu.memory_space<hbm>>
          %dma_wait3A_148 = tpu.memref_squeeze %dma_wait3A_147 : memref<1x4096xf32, #tpu.memory_space<hbm>> -> memref<4096xf32, #tpu.memory_space<hbm>>
          tpu.wait_dma2 semaphore(%run_scoped3A : memref<!tpu.dma_semaphore, #tpu.memory_space<semaphore_mem>>) src(%arg8 : memref<4096xf32, #tpu.memory_space<vmem>>) dst(%dma_wait3A_148 : memref<4096xf32, #tpu.memory_space<hbm>>)
          tpu.yield
        }) : () -> ()
        %scan3A_140 = arith.constant 0 : i32
        scf.yield %scan3A_140 : i32
      }
      %scan3A_127 = arith.constant 4 : i32
      %while3A_128 = arith.constant 0 : i32
      scf.yield %while3A_128 : i32
    }
    return
  }
}

module attributes {stable_mosaic.version = 14 : i64} {
  func.func @body(%arg0: i32, %arg1: i32, %arg2: memref<128x2048xf32, #tpu.memory_space<vmem>>, %arg3: memref<2048x128xf32, #tpu.memory_space<vmem>>, %arg4: memref<2048x128xf32, #tpu.memory_space<vmem>>) attributes {dimension_semantics = [#tpu.dimension_semantics<arbitrary>, #tpu.dimension_semantics<arbitrary>], iteration_bounds = array<i64: 8, 8>, scalar_prefetch = 0 : i64, scratch_operands = 0 : i64, tpu.core_type = #tpu.core_type<tc>, window_params = [{transform_indices = @transform_0, window_bounds = array<i64: 128, 2048>}, {transform_indices = @transform_1, window_bounds = array<i64: 2048, 128>}, {transform_indices = @transform_2, window_bounds = array<i64: 2048, 128>}]} {
    %get3A = arith.constant 0 : index
    %get3A_0 = arith.constant 0 : index
    %get3A_1 = vector.load %arg2[%get3A, %get3A_0] : memref<128x2048xf32, #tpu.memory_space<vmem>>, vector<128x2048xf32>
    %transpose3A = tpu.transpose %get3A_1, [1, 0] : vector<128x2048xf32> -> vector<2048x128xf32>
    %get3A_2 = arith.constant 0 : index
    %get3A_3 = arith.constant 0 : index
    %get3A_4 = vector.load %arg3[%get3A_2, %get3A_3] : memref<2048x128xf32, #tpu.memory_space<vmem>>, vector<2048x128xf32>
    %mul3A = arith.mulf %transpose3A, %get3A_4 : vector<2048x128xf32>
    %swap3A = arith.constant 0 : index
    %swap3A_5 = arith.constant 0 : index
    %swap3A_6 = vector.load %arg4[%swap3A, %swap3A_5] : memref<2048x128xf32, #tpu.memory_space<vmem>>, vector<2048x128xf32>
    tpu.vector_store %arg4[%swap3A, %swap3A_5], %mul3A {strides = array<i32>} : memref<2048x128xf32, #tpu.memory_space<vmem>>, vector<2048x128xf32>,
    return
  }
  func.func @transform_0(%arg0: i32, %arg1: i32) -> (i32, i32) {
    %c0_i32 = arith.constant 0 : i32
    return %arg0, %arg1 : i32, i32
  }
  func.func @transform_1(%arg0: i32, %arg1: i32) -> (i32, i32) {
    %c0_i32 = arith.constant 0 : i32
    return %arg1, %arg0 : i32, i32
  }
  func.func @transform_2(%arg0: i32, %arg1: i32) -> (i32, i32) {
    %c0_i32 = arith.constant 0 : i32
    return %arg1, %arg0 : i32, i32
  }
}

</mosaic_0001>

<sc_bundles>
// kernel: kernel.4.cloned.1.call-start
scs
__scs_entry_jumppad:
0x0: {  	(pc) =	sbr.rel $0x88, $3  }
0x1: {  	(tag) =	ssettag $0x0;
	lr =	simm.s32 $0x1  }
0x2: {  	[smem:$0x3F9F] =	sst lr;
	_ =	strace $0xD0000000  }
0x3: {  	_ = 	snop  }
0x4: {  	_ = 	snop  }
0x5: {  	_ = 	snop  }
0x6: {  	_ = 	snop  }
0x7: {  	_ = 	snop  }
__scs_overlays_trampoline_lowered:
0x8: {  	[smem:$0x3FAE] =	sst s0  }
0x9: {  	[smem:$0x3FAF] =	sst s1  }
0xa: {  	[smem:$0x3FB0] =	sst s2  }
0xb: {  	[smem:$0x3FB1] =	sst s3  }
0xc: {  	[smem:$0x3FB2] =	sst s4  }
0xd: {  	[smem:$0x3FB3] =	sst s5  }
0xe: {  	[smem:$0x3FB4] =	sst s6  }
0xf: {  	[smem:$0x3FB5] =	sst s7  }
0x10: {  	[smem:$0x3FB6] =	sst s8  }
0x11: {  	[smem:$0x3FB7] =	sst s9;
	s0 =	simm.s32 @!p0 $0x0  }
0x12: {  	s1 =	sld [smem:$0x3F9D];
	s0 =	simm.s32 @p0 $0x1  }
0x13: {  	[smem:$0x3FB8] =	sst s0;
	s0 =	simm.s32 @!p1 $0x0  }
0x14: {  	s2 =	sld [smem:$0x3F9C];
	s0 =	simm.s32 @p1 $0x1  }
0x15: {  	[smem:$0x3FB9] =	sst s0;
	s0 =	simm.s32 @!p2 $0x0  }
0x16: {  	s3 =	sld [smem:$0x3FDB];
	s0 =	simm.s32 @p2 $0x1  }
0x17: {  	s4 =	simm.s32 $0x1BF5;
	[smem:$0x3FBB] =	sst s0  }
0x18: {  	s0 =	sld [smem:$0x3F9E];
	_ =	swait.ge [sflag:s4], $0x0  }
0x19: {  	s7 =	sld [smem:$0x3F9F]  }
0x1a: {  	s8 =	sadd.s32 $0xFFFFE003, lr  }
0x1b: {  	s9 =	sadd.s32 $0xFFFFFEF7, lr;
	s5 =	simm.s32 $0xFFFFFFFF;
	p2 =	slt.u32 s8, $0xFFFFF086  }
0x1c: {  	p1 =	slt.u32 s9, $0xF7A;
	s5 =	simm.s32 @!p2 $0x0  }
0x1d: {  	s5 =	simm.s32 @p1 $0x1;
	p0 =	seq.s32 s7, s2  }
0x1e: {  	s7 =	smul.u32 @!p0 $0xF7A, s2;
	p2 =	seq.s32 @!p0 s5, $0x0  }
0x1f: {  	s9 =	smul.u32 $0xF7A, s1;
	s8 =	simm.s32 @!p0 $0x1BF5;
	p2 =	por !p2, p0  }
0x20: {  	[sflag:s8] =	ssyncset.s32 @!p0 $0xFFFFF086;
	s6 =	sadd.s32 @!p0 s3, s7;
	s7 =	simm.s32 @!p0 $0x108  }
0x21: {  	s3 =	sadd.s32 s3, s9;
	s6 =	sadd.s32 @!p0 $0x88, s6;
	s7 =	simm.s32 @p2 $0x1082  }
0x22: {  	[simem:s7], [sflag:s8] =	dma.local @!p0 [hbm:s6], $0xF7A  }
0x23: {  	s9 =	sor.u32 $0xD0000000, s2;
	s6 =	simm.s32 $0x108;
	_ =	swait.ge @!p0 [sflag:s8], $0x0  }
0x24: {  	s3 =	sadd.s32 $0x88, s3;
	s6 =	simm.s32 @!p1 $0x1082;
	[sflag:s4] =	ssyncset.s32 $0xFFFFF086  }
0x25: {  	[simem:s6], [sflag:s4] =	dma.local [hbm:s3], $0xF7A  }
0x26: {  	[smem:$0x3F9F] =	sst s1;
	(tag) =	ssettag s2;
	_ =	strace s9  }
0x27: {  	s1 =	sld [smem:$0x3FAF]  }
0x28: {  	s2 =	sld [smem:$0x3FB0]  }
0x29: {  	s4 =	sld [smem:$0x3FB2]  }
0x2a: {  	p0 =	seq.s32 s5, $0x0;
	s5 =	sld [smem:$0x3FB3]  }
0x2b: {  	s6 =	sld [smem:$0x3FB4]  }
0x2c: {  	s7 =	sld [smem:$0x3FB5]  }
0x2d: {  	s3 =	simm.s32 $0x108;
	s8 =	sld [smem:$0x3FB6]  }
0x2e: {  	s3 =	simm.s32 @!p0 $0x1082;
	s9 =	sld [smem:$0x3FB7]  }
0x2f: {  	lr =	sadd.s32 s0, s3;
	s0 =	sld [smem:$0x3FAE]  }
0x30: {  	s3 =	sld [smem:$0x3FB1]  }
0x31: {  	[smem:$0x3FBA] =	sst s10  }
0x32: {  	s10 =	sld [smem:$0x3FB8];
	_ =	sdelay $0x3  }
0x33: {  	p0 =	seq.s32 s10, $0x1;
	s10 =	sld [smem:$0x3FBA];
	_ =	sdelay $0x3  }
0x34: {  	[smem:$0x3FBA] =	sst s10  }
0x35: {  	s10 =	sld [smem:$0x3FB9];
	_ =	sdelay $0x3  }
0x36: {  	p1 =	seq.s32 s10, $0x1;
	s10 =	sld [smem:$0x3FBA];
	_ =	sdelay $0x3  }
0x37: {  	[smem:$0x3FBA] =	sst s10  }
0x38: {  	s10 =	sld [smem:$0x3FBB]  }
0x39: {  	_ = 	snop;
	(pc) =	sbr.ind lr, $3  }
0x3a: {  	_ = 	snop  }
0x3b: {  	_ = 	snop  }
0x3c: {  	p2 =	seq.s32 s10, $0x1;
	s10 =	sld [smem:$0x3FBA]  }
0x3d: {  	_ =	shalt  }
0x3e: {  	_ =	shalt  }
0x3f: {  	_ =	shalt  }
0x40: {  	_ =	shalt  }
0x41: {  	_ =	shalt  }
0x42: {  	_ =	shalt  }
0x43: {  	_ =	shalt  }
0x44: {  	_ =	shalt  }
0x45: {  	_ =	shalt  }
0x46: {  	_ =	shalt  }
0x47: {  	_ =	shalt  }
0x48: {  	_ =	shalt  }
0x49: {  	_ =	shalt  }
0x4a: {  	_ =	shalt  }
0x4b: {  	_ =	shalt  }
0x4c: {  	_ =	shalt  }
0x4d: {  	_ =	shalt  }
0x4e: {  	_ =	shalt  }
0x4f: {  	_ =	shalt  }
0x50: {  	_ =	shalt  }
0x51: {  	_ =	shalt  }
0x52: {  	_ =	shalt  }
0x53: {  	_ =	shalt  }
0x54: {  	_ =	shalt  }
0x55: {  	_ =	shalt  }
0x56: {  	_ =	shalt  }
0x57: {  	_ =	shalt  }
0x58: {  	_ =	shalt  }
0x59: {  	_ =	shalt  }
0x5a: {  	_ =	shalt  }
0x5b: {  	_ =	shalt  }
0x5c: {  	_ =	shalt  }
0x5d: {  	_ =	shalt  }
0x5e: {  	_ =	shalt  }
0x5f: {  	_ =	shalt  }
0x60: {  	_ =	shalt  }
0x61: {  	_ =	shalt  }
0x62: {  	_ =	shalt  }
0x63: {  	_ =	shalt  }
0x64: {  	_ =	shalt  }
0x65: {  	_ =	shalt  }
0x66: {  	_ =	shalt  }
0x67: {  	_ =	shalt  }
0x68: {  	_ =	shalt  }
0x69: {  	_ =	shalt  }
0x6a: {  	_ =	shalt  }
0x6b: {  	_ =	shalt  }
0x6c: {  	_ =	shalt  }
0x6d: {  	_ =	shalt  }
0x6e: {  	_ =	shalt  }
0x6f: {  	_ =	shalt  }
0x70: {  	_ =	shalt  }
0x71: {  	_ =	shalt  }
0x72: {  	_ =	shalt  }
0x73: {  	_ =	shalt  }
0x74: {  	_ =	shalt  }
0x75: {  	_ =	shalt  }
0x76: {  	_ =	shalt  }
0x77: {  	_ =	shalt  }
0x78: {  	_ =	shalt  }
0x79: {  	_ =	shalt  }
0x7a: {  	_ =	shalt  }
0x7b: {  	_ =	shalt  }
0x7c: {  	_ =	shalt  }
0x7d: {  	_ =	shalt  }
0x7e: {  	_ =	shalt  }
0x7f: {  	_ =	shalt  }
0x80: {  	_ =	shalt  }
0x81: {  	_ =	shalt  }
0x82: {  	_ =	shalt  }
0x83: {  	_ =	shalt  }
0x84: {  	_ =	shalt  }
0x85: {  	_ =	shalt  }
0x86: {  	_ =	shalt  }
0x87: {  	_ =	shalt  }
.Lfunc_end0:
.L_simem_size_0:
called_computation_lowered:
.L_overlay_start_0:
0x88: {  	s2 =	sld [smem:$0x3FD9]  }
0x89: {  	s3 =	sld [smem:$0x3FFE];
	_ =	sdelay $0x1  }
0x8a: {  	s1 =	srdreg.scid  }
0x8b: {  	s0 =	sand.u32 $0x1, s1  }
0x8c: {  	s17 =	sshll.u32 s0, $0xA;
	s2 =	sadd.s32 s3, s2  }
0x8d: {  	s2 =	sadd.s32 s2, s17  }
0x8e: {  	[smem:$0x3FC6] =	sst s2  }
0x8f: {  	_ = 	snop  }
0x90: {  	s2 =	sld [smem:$0x3FC8];
	(tm) =	ssettm $0x1  }
0x91: {  	s18 =	sld [smem:$0x3FFB];
	_ =	sdelay $0x3  }
0x92: {  	_ =	strace s18  }
0x93: {  	s3 =	sld [smem:$0x3FFC];
	_ =	sdelay $0x3  }
0x94: {  	_ =	strace s3  }
0x95: {  	s3 =	sld [smem:$0x3FFD];
	_ =	sdelay $0x3  }
0x96: {  	_ =	strace s3  }
0x97: {  	_ =	strace $0x8FFFFFFF  }
0x98: {  	s19 =	sld [smem:$0x3FDB];
	_ =	sdelay $0x1  }
0x99: {  	s4 =	simm.s32 $_scs_section_size  }
0x9a: {  	s5 =	simm.s32 $_size__tile_overlayer_lowered;
	s6 =	simm.s32 $_tile_overlayer_lowered  }
0x9b: {  	s22 =	simm.s32 $0x1BFF;
	s21 =	sshll.u32 s6, $0x1;
	s3 =	sadd.s32 s4, s19  }
0x9c: {  	s7 =	simm.s32 $0x0;
	s20 =	sshll.u32 s5, $0x1;
	s5 =	sadd.s32 s21, s3  }
0x9d: {  	[timem:s7], [sflag:s22] =	dma.local [hbm:s5], s20  }
0x9e: {  	_ =	swait.ge [sflag:s22], s20  }
0x9f: {  	s4 =	ssub.s32 $0x0, s20;
	[sflag:s22] =	ssyncset.done $0x0  }
0xa0: {  	[sflag:s22] =	ssyncadd.s32 s4;
	_ =	sdelay $0x1  }
0xa1: {  	s23 =	simm.s32 $0x1B8B  }
0xa2: {  	_ =	swait.ge [sflag:s23], $0x1  }
0xa3: {  	[sflag:s23] =	ssyncset.done $0x0  }
0xa4: {  	s25 =	simm.s32 $0x1B8E;
	s24 =	sld [smem:$0x3FFE];
	[sflag:s23] =	ssyncadd.s32 $0xFFFFFFFF  }
0xa5: {  	s26 =	simm.s32 $execute0_lowered;
	[smem:$0x3FD2] =	sst s25  }
0xa6: {  	s5 =	sshll.u32 s26, $0x1;
	_ =	strace $0x80000046;
	[dreg:$0x1] =	wrdreg $0xFFFFFFFF  }
0xa7: {  	s28 =	simm.s32 $_size_execute0_lowered;
	s3 =	sadd.s32 s3, s5;
	[dreg:$0x0] =	wrdreg $0x0  }
0xa8: {  	s5 =	sshll.u32 s28, $0x1;
	[dreg:$0x2] =	wrdreg s3  }
0xa9: {  	[dreg:$0x3] =	wrdreg s5  }
0xaa: {  	[dreg:$0x4] =	wrdreg $0xC0  }
0xab: {  	_ =	task [dreg:s7], $0x5FFFF  }
0xac: {  	[dreg:$0x1] =	wrdreg $0xFFFFFFFF  }
0xad: {  	[dreg:$0x0] =	wrdreg $0x60  }
0xae: {  	[dreg:$0x2] =	wrdreg s24  }
0xaf: {  	[dreg:$0x3] =	wrdreg s2  }
0xb0: {  	[dreg:$0x4] =	wrdreg $0x9  }
0xb1: {  	_ =	task.clear_ibuf [dreg:s7], $0x5FFFF;
	_ =	strace $0x90000046  }
0xb2: {  	s29 =	simm.s32 $0x9;
	_ =	strace $0x80000048  }
0xb3: {  	_ =	swait.ge [sflag:s29], $0x1  }
0xb4: {  	[sflag:s29] =	ssyncadd.s32 $0xFFFFFFFF  }
0xb5: {  	_ =	strace $0x90000048  }
0xb6: {  	_ =	sfence  }
0xb7: {  	s30 =	sld [smem:$0x0];
	_ =	sdelay $0x2  }
0xb8: {  	s31 =	sshll.u32 s1, $0xD;
	s1 =	sshrl.u32 s1, $0x2  }
0xb9: {  	s3 =	sand.u32 $0x4000, s31;
	s1 =	sadd.s32 s1, s30  }
0xba: {  	s0 =	sor.u32 s3, s0;
	s1 =	sshll.u32 s1, $0x11  }
0xbb: {  	s0 =	sor.u32 s1, s0  }
0xbc: {  	s0 =	sadd.s32 $0x8F2B, s0  }
0xbd: {  	[sflag:s0] =	ssyncadd.remote.s32 $0x1  }
0xbe: {  	_ =	sfence.sel $0xFFFF  }
0xbf: {  	[dreg:$0x0] =	wrdreg $0xFFFFFFFF;
	(pc) =	sbr.abs _section_cstart, $3  }
0xc0: {  	[dreg:$0x1] =	wrdreg $0xFFFFFFFF  }
0xc1: {  	_ =	task.clear_ibuf [dreg:s7], $0x2FFFF;
	_ =	strace $0x9FFFFFFF  }
0xc2: {  	(tm) =	ssettm $0x7FFFFFFF  }
0xc3: {  	_ =	shalt  }
tec
execute0_lowered:
.L_overlay_start_1:
0x0: {  	(tag) =	ssettag $0x1  }
0x1: {  	s6 =	rddreg [dreg:$0x0]  }
0x2: {  	s1 =	rddreg [dreg:$0x1]  }
0x3: {  	s0 =	rddreg [dreg:$0x2];
	s3 =	simm.s32 $0x0;
	s5 =	srdreg.scid  }
0x4: {  	s2 =	stileid.u32;
	s12 =	simm.s32 $0x80;
	s13 =	simm.s32 $0x400  }
0x5: {  	s14 =	simm.s32 $0x6200;
	s15 =	simm.s32 $0xC400;
	s16 =	simm.s32 $0x12600  }
0x6: {  	s17 =	simm.s32 $0x18680;
	s18 =	simm.s32 $0x1;
	s19 =	simm.s32 $0x1C700  }
0x7: {  	s20 =	simm.s32 $0x0;
	[smem:$0x7FF] =	sst s3;
	s4 =	sadd.s32 $0x400, s6  }
0x8: {  	s7 =	sand.u32 $0x1, s5;
	s8 =	sshll.u32 s2, $0x1;
	s5 =	sadd.s32 $0xC00, s6  }
0x9: {  	s6 =	sadd.s32 $0x4C00, s6;
	s9 =	ssub.s32 $0x2, s7;
	s7 =	sor.u32 s7, s8  }
0xa: {  	p0 =	slt.u32 s2, $0x4;
	_ =	strace $0x80000047;
	s10 =	smul.u32 $0x1F, s7  }
0xb: {  	s31 =	sshrl.u32 s9, $0x1;
	s11 =	smin.u32 s7, $0x8;
	s7 =	simm.s32 $0x20  }
0xc: {  	s9 =	ssub.s32 s9, s31;
	s7 =	simm.s32 @!p0 $0x1F;
	s8 =	sadd.s32 s11, s10  }
0xd: {  	s9 =	smax.u32 s9, $0x1;
	s10 =	simm.s32 $0x18700;
	s11 =	simm.s32 $0x2  }
.LBB2_1:
0xe: {  	[tilespmem:s10], [sflag:$0x2] =	stream.linear.gather [hbm4b:s4+s3], $0x4000, $0x38;
	[tilespmem:$0x1D700] =	vst v63  }
0xf: {  	_ =	swait.ge [sflag:s11], $0x4000  }
0x10: {  	[sflag:s11] =	ssyncset.done $0x0  }
0x11: {  	s21 =	simm.s32 $0x0;
	[sflag:s11] =	ssyncadd.s32 $0xFFFFC000  }
.LBB2_2:
0x12: {  	s22 =	sadd.s32 s21, s8  }
0x13: {  	s23 =	sshrl.u32 s22, $0x3  }
0x14: {  	s22 =	sshll.u32 s22, $0x7;
	s24 =	smul.u32 $0xC3800, s23  }
0x15: {  	s25 =	sand.u32 $0x380, s22  }
0x16: {  	s24 =	sor.u32 s25, s24  }
0x17: {  	s28 =	sshrl.u32 s24, $0x3  }
0x18: {  	s22 =	simm.s32 $0x0;
	s29 =	sadd.s32 $0x31000, s24;
	s26 =	sadd.s32 s1, s28  }
0x19: {  	[tilespmem:s22], [sflag:$0x1] =	stream.strided.gather [hbm4b:s26+s12], $0x6200, s13, s12, $0x38;
	[tilespmem:$0x1D700] =	vst v63  }
0x1a: {  	s26 =	sshrl.u32 s29, $0x3  }
0x1b: {  	s30 =	sadd.s32 $0x62000, s24;
	s26 =	sadd.s32 s1, s26  }
0x1c: {  	[tilespmem:s14], [sflag:$0x1] =	stream.strided.gather [hbm4b:s26+s12], $0x6200, s13, s12, $0x38;
	[tilespmem:$0x1D700] =	vst v63  }
0x1d: {  	s24 =	sadd.s32 $0x93000, s24;
	s26 =	sshrl.u32 s30, $0x3  }
0x1e: {  	s24 =	sshrl.u32 s24, $0x3;
	s26 =	sadd.s32 s1, s26  }
0x1f: {  	[tilespmem:s15], [sflag:$0x1] =	stream.strided.gather [hbm4b:s26+s12], $0x6200, s13, s12, $0x38;
	[tilespmem:$0x1D700] =	vst v63  }
0x20: {  	s31 =	sshll.u32 s23, $0xA;
	s24 =	sadd.s32 s1, s24  }
0x21: {  	[tilespmem:s16], [sflag:$0x1] =	stream.strided.gather [hbm4b:s24+s12], $0x6080, s13, s12, $0x38;
	[tilespmem:$0x1D700] =	vst v63  }
0x22: {  	s24 =	sor.u32 s25, s31  }
0x23: {  	s24 =	sshrl.u32 s24, $0x3  }
0x24: {  	s24 =	sadd.s32 s5, s24  }
0x25: {  	[tilespmem:s17], [sflag:$0x1] =	stream.linear.gather [hbm4b:s24+s22], $0x80, $0x38;
	[tilespmem:$0x1D700] =	vst v63  }
0x26: {  	_ =	swait.ge [sflag:s18], $0x6200  }
0x27: {  	[sflag:s18] =	ssyncset.done $0x0  }
0x28: {  	[sflag:s18] =	ssyncadd.s32 $0xFFFF9E00  }
0x29: {  	_ =	swait.ge [sflag:s18], $0x6200  }
0x2a: {  	[sflag:s18] =	ssyncset.done $0x0  }
0x2b: {  	[sflag:s18] =	ssyncadd.s32 $0xFFFF9E00  }
0x2c: {  	_ =	swait.ge [sflag:s18], $0x6200  }
0x2d: {  	[sflag:s18] =	ssyncset.done $0x0  }
0x2e: {  	[sflag:s18] =	ssyncadd.s32 $0xFFFF9E00  }
0x2f: {  	_ =	swait.ge [sflag:s18], $0x6080  }
0x30: {  	[sflag:s18] =	ssyncset.done $0x0  }
0x31: {  	[sflag:s18] =	ssyncadd.s32 $0xFFFF9F80  }
0x32: {  	_ =	swait.ge [sflag:s18], $0x80  }
0x33: {  	s23 =	sshll.u32 s23, $0x11;
	[sflag:s18] =	ssyncset.done $0x0  }
0x34: {  	s23 =	sor.u32 s25, s23;
	s24 =	simm.s32 $0x18740;
	[sflag:s18] =	ssyncadd.s32 $0xFFFFFF80  }
.LBB2_3:
0x35: {  	s25 =	simm.s32 $0xFFFFFFF8;
	s26 =	simm.s32 $0x1C740;
	s28 =	smov.u32 s24  }
.LBB2_4:
0x36: {  	v0 =	vld [tilespmem:s28+$0xFFFFFFC0];
	_ =	sdelay $0x7  }
0x37: {  	v0 =	vld.idx.msk [tilespmem:v0+s3+$0x0], $0xffff;
	_ =	sdelay $0x4  }
0x38: {  	[tilespmem:s26+$0xFFFFFFC0] =	vst v0  }
0x39: {  	v0 =	vld [tilespmem:s28+$0xFFFFFFD0];
	_ =	sdelay $0x7  }
0x3a: {  	v0 =	vld.idx.msk [tilespmem:v0+s3+$0x0], $0xffff;
	_ =	sdelay $0x4  }
0x3b: {  	[tilespmem:s26+$0xFFFFFFD0] =	vst v0  }
0x3c: {  	v0 =	vld [tilespmem:s28+$0xFFFFFFE0];
	_ =	sdelay $0x7  }
0x3d: {  	v0 =	vld.idx.msk [tilespmem:v0+s3+$0x0], $0xffff;
	_ =	sdelay $0x4  }
0x3e: {  	[tilespmem:s26+$0xFFFFFFE0] =	vst v0  }
0x3f: {  	v0 =	vld [tilespmem:s28+$0xFFFFFFF0];
	_ =	sdelay $0x7  }
0x40: {  	v0 =	vld.idx.msk [tilespmem:v0+s3+$0x0], $0xffff;
	_ =	sdelay $0x4  }
0x41: {  	[tilespmem:s26+$0xFFFFFFF0] =	vst v0  }
0x42: {  	v0 =	vld [tilespmem:s28+$0x0];
	_ =	sdelay $0x7  }
0x43: {  	v0 =	vld.idx.msk [tilespmem:v0+s3+$0x0], $0xffff;
	_ =	sdelay $0x4  }
0x44: {  	[tilespmem:s26+$0x0] =	vst v0  }
0x45: {  	v0 =	vld [tilespmem:s28+$0x10];
	_ =	sdelay $0x7  }
0x46: {  	v0 =	vld.idx.msk [tilespmem:v0+s3+$0x0], $0xffff;
	_ =	sdelay $0x4  }
0x47: {  	[tilespmem:s26+$0x10] =	vst v0  }
0x48: {  	v0 =	vld [tilespmem:s28+$0x20];
	_ =	sdelay $0x7  }
0x49: {  	v0 =	vld.idx.msk [tilespmem:v0+s3+$0x0], $0xffff;
	_ =	sdelay $0x4  }
0x4a: {  	[tilespmem:s26+$0x20] =	vst v0  }
0x4b: {  	v0 =	vld [tilespmem:s28+$0x30];
	_ =	sdelay $0x6  }
0x4c: {  	s25 =	sadd.s32 $0x8, s25  }
0x4d: {  	p0 =	slt.u32 s25, $0xF8;
	v0 =	vld.idx.msk [tilespmem:v0+s3+$0x0], $0xffff  }
.Ltmp0:
0x4e: {  	_ = 	snop;
	(pc) =	sbr.rel @p0 .LBB2_4-.Ltmp0, $2  }
0x4f: {  	_ =	sdelay $0x2  }
0x50: {  	s28 =	sadd.s32 $0x80, s28;
	[tilespmem:s26+$0x30] =	vst v0;
	s26 =	sadd.s32 $0x80, s26  }
0x51: {  	s25 =	sshll.u32 s22, $0xF  }
0x52: {  	s22 =	sadd.s32 $0x1, s22;
	s25 =	sadd.s32 s23, s25  }
0x53: {  	p0 =	sne.s32 s22, $0x4;
	s25 =	sshrl.u32 s25, $0x3  }
.Ltmp1:
0x54: {  	s25 =	sadd.s32 s6, s25;
	(pc) =	sbr.rel @p0 .LBB2_3-.Ltmp1, $4  }
0x55: {  	[hbm4b:s25+s12] =	stream.strided.scatter [tilespmem:s19], [sflag:$0x2], $0x1000, s13, s12, $0x38;
	[tilespmem:$0x1D700] =	vst v63  }
0x56: {  	_ =	swait.ge [sflag:s11], $0x1000  }
0x57: {  	[sflag:s11] =	ssyncset.done $0x0  }
0x58: {  	s24 =	sadd.s32 $0x1000, s24;
	[sflag:s11] =	ssyncadd.s32 $0xFFFFF000  }
0x59: {  	s21 =	sadd.s32 $0x1, s21  }
0x5a: {  	p0 =	sne.s32 s21, s7  }
.Ltmp2:
0x5b: {  	_ = 	snop;
	(pc) =	sbr.rel @p0 .LBB2_2-.Ltmp2, $1  }
0x5c: {  	_ =	sdelay $0x3  }
0x5d: {  	s20 =	sadd.s32 $0x1, s20  }
0x5e: {  	p0 =	sne.s32 s20, s9  }
.Ltmp3:
0x5f: {  	_ = 	snop;
	(pc) =	sbr.rel @p0 .LBB2_1-.Ltmp3, $1  }
0x60: {  	_ =	sdelay $0x3  }
0x61: {  	_ =	sfence.sel $0x180000  }
0x62: {  	[bflag:$0x0] =	sbarrier.arrive $0xFFFF  }
0x63: {  	p0 =	sne.s32 s2, $0x0;
	_ =	strace $0x90000047  }
0x64: {  	s0 =	sadd.s32 @!p0 $0x100000, s0;
	[bflag:$0x2] =	sbarrier.arrive $0xFFFF  }
0x65: {  	[sflag:s0] =	ssyncadd.tile.s32 @!p0 $0x1;
	_ =	shalt  }
.Lfunc_end2:
_tile_overlayer_lowered:
.L_overlay_start_2:
0x66: {  	(tag) =	ssettag $0x2  }
0x67: {  	s0 =	rddreg [dreg:$0x0];
	s2 =	stileid.u32  }
0x68: {  	s1 =	rddreg [dreg:$0x1];
	p0 =	sne.s32 s2, $0x0  }
0x69: {  	s3 =	rddreg [dreg:$0x2];
	[bflag:$0x3] =	sbarrier.arrive $0xFFFF;
	s2 =	simm.s32 @!p0 $0x1C02  }
0x6a: {  	[timem:s3], [sflag:s2] =	dma.local @!p0 [hbm:s0], s1  }
0x6b: {  	s0 =	simm.s32 @!p0 $0x2  }
0x6c: {  	_ =	swait.ge @!p0 [sflag:s0], s1  }
0x6d: {  	s1 =	ssub.s32 @!p0 $0x0, s1;
	[sflag:s0] =	ssyncset.done @!p0 $0x0  }
0x6e: {  	[sflag:s0] =	ssyncadd.s32 @!p0 s1  }
0x6f: {  	[bflag:$0x3] =	sbarrier.arrive $0xFFFF  }
0x70: {  	_ =	shalt  }

</sc_bundles>
